<compile_context>
chip_gen: v7x
topology: tpu7x:2x2x1
jax: 0.10.2.dev20260603
libtpu: 0.0.44.dev20260713+nightly
codegen_flags: <defaults>
</compile_context>

<pallas_src>
import functools

import jax
import jax.numpy as jnp
from jax import lax
from jax.experimental import pallas as pl
from jax.experimental.pallas import tpu as pltpu
from jax.experimental.pallas import tpu_sc as plsc

N = 10000
E = 320000
D = 128

NC = 2
NS = 16
L = 16
U = 8

C2 = 20480
HALF = C2 // NC
TAIL = E - (NS - 1) * C2
TAIL1 = TAIL - HALF

NPAD = 10240
SLC = NPAD // NS


@functools.cache
def _mesh():
    return plsc.VectorSubcoreMesh(
        core_axis_name="c", subcore_axis_name="s", num_cores=NC, num_subcores=NS
    )


def _zero_fill(ref, n):
    z = jnp.zeros((L,), jnp.float32)
    zu = 16

    def body(o, _):
        for k in range(zu):
            ref[pl.ds((o * zu + k) * L, L)] = z
        return 0

    lax.fori_loop(0, n // (L * zu), body, 0)


def _rsqrt16(x):
    i = plsc.bitcast(x, jnp.int32)
    i = jnp.int32(0x5F3759DF) - (i >> 1)
    y = plsc.bitcast(i, jnp.float32)
    for _ in range(3):
        y = y * (jnp.float32(1.5) - jnp.float32(0.5) * x * y * y)
    return y


def _mega_body(ei_hbm, out_hbm,
               idx_s, idx_d, loc, loc_d, rbuf, nin_loc, nout_s, wstage,
               grid_s, grid_d, sh_nin):
    cid = lax.axis_index("c")
    sid = lax.axis_index("s")

    @pl.when(sid < NS - 1)
    def _():
        pltpu.sync_copy(ei_hbm.at[0, pl.ds(sid * C2, C2)], idx_s)
        pltpu.sync_copy(ei_hbm.at[1, pl.ds(sid * C2, C2)], idx_d)

    @pl.when(sid == NS - 1)
    def _():
        pltpu.sync_copy(ei_hbm.at[0, pl.ds((NS - 1) * C2, TAIL)],
                        idx_s.at[pl.ds(0, TAIL)])
        pltpu.sync_copy(ei_hbm.at[1, pl.ds((NS - 1) * C2, TAIL)],
                        idx_d.at[pl.ds(0, TAIL)])

    nblk = jnp.where(sid < NS - 1, C2 // (L * U), TAIL // (L * U))
    ones16 = jnp.full((L,), 1.0, jnp.float32)

    _zero_fill(loc, NPAD)
    _zero_fill(loc_d, NPAD)

    def upd(o, _):
        s_idxs = [idx_s[pl.ds((o * U + k) * L, L)] for k in range(U)]
        d_idxs = [idx_d[pl.ds((o * U + k) * L, L)] for k in range(U)]
        for k in range(U):
            plsc.addupdate_scatter(loc, [s_idxs[k]], ones16)
            plsc.addupdate_scatter(loc_d, [d_idxs[k]], ones16)
        return 0

    lax.fori_loop(0, nblk, upd, 0)
    pltpu.sync_copy(loc, grid_s.at[sid])
    pltpu.sync_copy(loc_d, grid_d.at[sid])
    plsc.subcore_barrier()

    def reduce_norm(grid, dst_buf):
        pltpu.sync_copy(grid.at[:, pl.ds(sid * SLC, SLC)], rbuf)

        def red(i, _):
            t = [rbuf[r, pl.ds(i * L, L)] for r in range(NS)]
            while len(t) > 1:
                t = [a + b for a, b in zip(t[::2], t[1::2])]
            dst_buf[pl.ds(i * L, L)] = _rsqrt16(jnp.maximum(t[0], 1.0))
            return 0

        lax.fori_loop(0, SLC // L, red, 0)

    reduce_norm(grid_s, nout_s)
    reduce_norm(grid_d, wstage)
    pltpu.sync_copy(wstage, sh_nin.at[pl.ds(sid * SLC, SLC)])
    plsc.subcore_barrier()

    pltpu.sync_copy(sh_nin, nin_loc)

    _zero_fill(loc, NPAD)
    base = cid * HALF

    def upd2(o, _):
        d16s = [idx_d[pl.ds(base + (o * U + k) * L, L)] for k in range(U)]
        v16s = [plsc.load_gather(nin_loc, [d]) for d in d16s]
        s16s = [idx_s[pl.ds(base + (o * U + k) * L, L)] for k in range(U)]
        for k in range(U):
            plsc.addupdate_scatter(loc, [s16s[k]], v16s[k])
        return 0

    nblk2 = jnp.where(jnp.logical_or(sid < NS - 1, cid == 0),
                      HALF // (L * U), TAIL1 // (L * U))
    lax.fori_loop(0, nblk2, upd2, 0)
    pltpu.sync_copy(loc, grid_s.at[sid])
    plsc.subcore_barrier()

    pltpu.sync_copy(grid_s.at[:, pl.ds(sid * SLC, SLC)], rbuf)
    inv_n = jnp.float32(1.0 / N)

    def red2(i, _):
        t = [rbuf[r, pl.ds(i * L, L)] for r in range(NS)]
        while len(t) > 1:
            t = [a + b for a, b in zip(t[::2], t[1::2])]
        wstage[pl.ds(i * L, L)] = t[0] * nout_s[pl.ds(i * L, L)] * inv_n
        return 0

    lax.fori_loop(0, SLC // L, red2, 0)
    pltpu.sync_copy(wstage, out_hbm.at[cid, pl.ds(sid * SLC, SLC)])


@functools.cache
def _mega_kernel():
    return pl.kernel(
        _mega_body,
        out_type=jax.ShapeDtypeStruct((NC, NPAD), jnp.float32),
        mesh=_mesh(),
        compiler_params=pltpu.CompilerParams(needs_layout_passes=False),
        scratch_types=[
            pltpu.VMEM((C2,), jnp.int32),
            pltpu.VMEM((C2,), jnp.int32),
            pltpu.VMEM((NPAD,), jnp.float32),
            pltpu.VMEM((NPAD,), jnp.float32),
            pltpu.VMEM((NS, SLC), jnp.float32),
            pltpu.VMEM((NPAD,), jnp.float32),
            pltpu.VMEM((SLC,), jnp.float32),
            pltpu.VMEM((SLC,), jnp.float32),
            pltpu.VMEM_SHARED((NS, NPAD), jnp.float32),
            pltpu.VMEM_SHARED((NS, NPAD), jnp.float32),
            pltpu.VMEM_SHARED((NPAD,), jnp.float32),
        ],
    )


_R = 1000
_NG = N // _R


def _final_body(wp_ref, f_ref, w2_ref, b2_ref, out_ref):
    j = pl.program_id(0)
    w = wp_ref[0] + wp_ref[1]
    part = jnp.sum(f_ref[...] * w, axis=0, keepdims=True)

    @pl.when(j == 0)
    def _():
        out_ref[...] = jnp.zeros_like(out_ref)

    out_ref[...] += part

    @pl.when(j == _NG - 1)
    def _():
        out_ref[...] = (
            jnp.dot(out_ref[...], w2_ref[...], preferred_element_type=jnp.float32)
            + b2_ref[...]
        )


def _final(wp, feature, W2, b2):
    return pl.pallas_call(
        _final_body,
        grid=(_NG,),
        in_specs=[
            pl.BlockSpec((NC, _R, 1), lambda j: (0, j, 0)),
            pl.BlockSpec((_R, 128), lambda j: (j, 0)),
            pl.BlockSpec((128, 128), lambda j: (0, 0)),
            pl.BlockSpec((1, 128), lambda j: (0, 0)),
        ],
        out_specs=pl.BlockSpec((1, 128), lambda j: (0, 0)),
        out_shape=jax.ShapeDtypeStruct((1, D), jnp.float32),
    )(wp, feature, W2, b2)


def kernel(feature, edge_index, W1, b1, W2, b2):
    w_part = _mega_kernel()(edge_index)
    out = _final(w_part.reshape(NC, NPAD, 1), feature, W2, b2.reshape(1, D))
    return out

# --- scband reference (transcript-rebuilt; emitter-appended) ---
"""Pipeline reference for scband-unsupervised-gcn-5385888989403 (READ-ONLY COPY).

The authoritative reference and input builder live on the scoring server;
editing this copy changes nothing except your own understanding.
"""

import jax, jax.numpy as jnp
import numpy as np

N = 10000
E = 320000
D = 128


def setup_inputs(seed: int = 0) -> dict:
    key = jax.random.key(seed)
    k1, k2, k3, k4, k5, k6 = jax.random.split(key, 6)
    feature = jax.random.normal(k1, (N, D), dtype=jnp.float32)
    edge_index = jax.random.randint(k2, (2, E), 0, N, dtype=jnp.int32)
    scale = 1.0 / np.sqrt(D)
    W1 = jax.random.normal(k3, (D, D), dtype=jnp.float32) * scale
    b1 = jnp.zeros((D,), dtype=jnp.float32)
    W2 = jax.random.normal(k4, (D, D), dtype=jnp.float32) * scale
    b2 = jnp.zeros((D,), dtype=jnp.float32)
    return {"feature": feature, "edge_index": edge_index, "W1": W1, "b1": b1, "W2": W2, "b2": b2}


def _gcn_layer(x, W, b, src, dst):
    ones = jnp.ones((src.shape[0],), dtype=x.dtype)
    deg_out = jax.ops.segment_sum(ones, src, num_segments=N)
    deg_in = jax.ops.segment_sum(ones, dst, num_segments=N)
    norm_out = jnp.power(jnp.clip(deg_out, 1.0), -0.5)
    norm_in = jnp.power(jnp.clip(deg_in, 1.0), -0.5)
    h = x * norm_out[:, None]
    msg = jnp.take(h, src, axis=0)
    agg = jax.ops.segment_sum(msg, dst, num_segments=N)
    agg = agg * norm_in[:, None]
    return agg @ W + b


def reference(feature, edge_index, W1, b1, W2, b2):
    src = edge_index[0]
    dst = edge_index[1]
    # NOTE: faithful to the original torch code, which re-applies each layer to
    # the ORIGINAL `feature` (feats is overwritten in the loop, feature never updated).
    acts = [jax.nn.relu, lambda z: z]
    params = [(W1, b1), (W2, b2)]
    feats = feature
    for act, (W, b) in zip(acts, params):
        feats = act(_gcn_layer(feature, W, b, src, dst))
    # AvgPooling over a single graph -> [1, D]
    out = jnp.mean(feats, axis=0, keepdims=True)
    return out

if __name__ == "__main__":
    import jax
    _d = setup_inputs()
    print(jax.jit(kernel)(*tuple(_d.values())))

</pallas_src>

<mosaic_0001>
#map = affine_map<(d0, d1) -> (0, 0)>
module attributes {stable_mosaic.version = 14 : i64} {
  func.func @_mega_body(%arg0: i32, %arg1: i32, %arg2: memref<2x320000xi32, #tpu.memory_space<hbm>>, %arg3: memref<2x10240xf32, #tpu.memory_space<hbm>>, %arg4: memref<20480xi32, #tpu.memory_space<vmem>>, %arg5: memref<20480xi32, #tpu.memory_space<vmem>>, %arg6: memref<10240xf32, #tpu.memory_space<vmem>>, %arg7: memref<10240xf32, #tpu.memory_space<vmem>>, %arg8: memref<16x640xf32, #tpu.memory_space<vmem>>, %arg9: memref<10240xf32, #tpu.memory_space<vmem>>, %arg10: memref<640xf32, #tpu.memory_space<vmem>>, %arg11: memref<640xf32, #tpu.memory_space<vmem>>, %arg12: memref<16x10240xf32, #tpu.memory_space<vmem_shared>>, %arg13: memref<16x10240xf32, #tpu.memory_space<vmem_shared>>, %arg14: memref<10240xf32, #tpu.memory_space<vmem_shared>>) attributes {dimension_semantics = [#tpu.dimension_semantics<core_parallel>, #tpu.dimension_semantics<subcore_parallel>], iteration_bounds = array<i64: 2, 16>, scalar_prefetch = 0 : i64, scratch_operands = 11 : i64, tpu.core_type = #tpu.core_type<sc_vector_subcore>, window_params = [{transform_indices = #map}, {transform_indices = #map}]} {
    %lt3A = arith.constant 15 : i32
    %lt3A_0 = arith.cmpi slt, %arg1, %lt3A : i32
    %convert_element_type3A = arith.extui %lt3A_0 : i1 to i32
    %cond3A = arith.constant 0 : i32
    %cond3A_1 = arith.cmpi ne, %convert_element_type3A, %cond3A : i32
    scf.if %cond3A_1 {
      %mul3A_101 = arith.constant 20480 : i32
      %mul3A_102 = arith.muli %arg1, %mul3A_101 : i32
      %run_scoped3A = arith.constant 0 : i32
      "tpu.region"() ({
        %run_scoped3A_106 = tpu.sem_alloc : memref<!tpu.dma_semaphore, #tpu.memory_space<semaphore_mem>>
        %dma_start3A = tpu.memref_slice %arg2[%run_scoped3A, %mul3A_102] : memref<2x320000xi32, #tpu.memory_space<hbm>> -> memref<1x20480xi32, #tpu.memory_space<hbm>>
        %dma_start3A_107 = tpu.memref_squeeze %dma_start3A : memref<1x20480xi32, #tpu.memory_space<hbm>> -> memref<20480xi32, #tpu.memory_space<hbm>>
        %dma_start3A_108 = tpu.memref_slice %arg2[%run_scoped3A, %mul3A_102] : memref<2x320000xi32, #tpu.memory_space<hbm>> -> memref<1x20480xi32, #tpu.memory_space<hbm>>
        %dma_start3A_109 = tpu.memref_squeeze %dma_start3A_108 : memref<1x20480xi32, #tpu.memory_space<hbm>> -> memref<20480xi32, #tpu.memory_space<hbm>>
        tpu.enqueue_dma source(%dma_start3A_109 : memref<20480xi32, #tpu.memory_space<hbm>>) target(%arg4 : memref<20480xi32, #tpu.memory_space<vmem>>) target_semaphore(%run_scoped3A_106 : memref<!tpu.dma_semaphore, #tpu.memory_space<semaphore_mem>>)
        %dma_wait3A = tpu.memref_slice %arg2[%run_scoped3A, %mul3A_102] : memref<2x320000xi32, #tpu.memory_space<hbm>> -> memref<1x20480xi32, #tpu.memory_space<hbm>>
        %dma_wait3A_110 = tpu.memref_squeeze %dma_wait3A : memref<1x20480xi32, #tpu.memory_space<hbm>> -> memref<20480xi32, #tpu.memory_space<hbm>>
        %dma_wait3A_111 = tpu.memref_slice %arg2[%run_scoped3A, %mul3A_102] : memref<2x320000xi32, #tpu.memory_space<hbm>> -> memref<1x20480xi32, #tpu.memory_space<hbm>>
        %dma_wait3A_112 = tpu.memref_squeeze %dma_wait3A_111 : memref<1x20480xi32, #tpu.memory_space<hbm>> -> memref<20480xi32, #tpu.memory_space<hbm>>
        tpu.wait_dma2 semaphore(%run_scoped3A_106 : memref<!tpu.dma_semaphore, #tpu.memory_space<semaphore_mem>>) src(%dma_wait3A_112 : memref<20480xi32, #tpu.memory_space<hbm>>) dst(%arg4 : memref<20480xi32, #tpu.memory_space<vmem>>)
        tpu.yield
      }) : () -> ()
      %mul3A_103 = arith.constant 20480 : i32
      %mul3A_104 = arith.muli %arg1, %mul3A_103 : i32
      %run_scoped3A_105 = arith.constant 1 : i32
      "tpu.region"() ({
        %run_scoped3A_106 = tpu.sem_alloc : memref<!tpu.dma_semaphore, #tpu.memory_space<semaphore_mem>>
        %dma_start3A = tpu.memref_slice %arg2[%run_scoped3A_105, %mul3A_104] : memref<2x320000xi32, #tpu.memory_space<hbm>> -> memref<1x20480xi32, #tpu.memory_space<hbm>>
        %dma_start3A_107 = tpu.memref_squeeze %dma_start3A : memref<1x20480xi32, #tpu.memory_space<hbm>> -> memref<20480xi32, #tpu.memory_space<hbm>>
        %dma_start3A_108 = tpu.memref_slice %arg2[%run_scoped3A_105, %mul3A_104] : memref<2x320000xi32, #tpu.memory_space<hbm>> -> memref<1x20480xi32, #tpu.memory_space<hbm>>
        %dma_start3A_109 = tpu.memref_squeeze %dma_start3A_108 : memref<1x20480xi32, #tpu.memory_space<hbm>> -> memref<20480xi32, #tpu.memory_space<hbm>>
        tpu.enqueue_dma source(%dma_start3A_109 : memref<20480xi32, #tpu.memory_space<hbm>>) target(%arg5 : memref<20480xi32, #tpu.memory_space<vmem>>) target_semaphore(%run_scoped3A_106 : memref<!tpu.dma_semaphore, #tpu.memory_space<semaphore_mem>>)
        %dma_wait3A = tpu.memref_slice %arg2[%run_scoped3A_105, %mul3A_104] : memref<2x320000xi32, #tpu.memory_space<hbm>> -> memref<1x20480xi32, #tpu.memory_space<hbm>>
        %dma_wait3A_110 = tpu.memref_squeeze %dma_wait3A : memref<1x20480xi32, #tpu.memory_space<hbm>> -> memref<20480xi32, #tpu.memory_space<hbm>>
        %dma_wait3A_111 = tpu.memref_slice %arg2[%run_scoped3A_105, %mul3A_104] : memref<2x320000xi32, #tpu.memory_space<hbm>> -> memref<1x20480xi32, #tpu.memory_space<hbm>>
        %dma_wait3A_112 = tpu.memref_squeeze %dma_wait3A_111 : memref<1x20480xi32, #tpu.memory_space<hbm>> -> memref<20480xi32, #tpu.memory_space<hbm>>
        tpu.wait_dma2 semaphore(%run_scoped3A_106 : memref<!tpu.dma_semaphore, #tpu.memory_space<semaphore_mem>>) src(%dma_wait3A_112 : memref<20480xi32, #tpu.memory_space<hbm>>) dst(%arg5 : memref<20480xi32, #tpu.memory_space<vmem>>)
        tpu.yield
      }) : () -> ()
    } else {
    }
    %eq3A = arith.constant 15 : i32
    %eq3A_2 = arith.cmpi eq, %arg1, %eq3A : i32
    %convert_element_type3A_3 = arith.extui %eq3A_2 : i1 to i32
    %cond3A_4 = arith.constant 0 : i32
    %cond3A_5 = arith.cmpi ne, %convert_element_type3A_3, %cond3A_4 : i32
    scf.if %cond3A_5 {
      %run_scoped3A = arith.constant 0 : i32
      "tpu.region"() ({
        %run_scoped3A_102 = tpu.sem_alloc : memref<!tpu.dma_semaphore, #tpu.memory_space<semaphore_mem>>
        %dma_start3A = arith.constant 0 : i32
        %dma_start3A_103 = tpu.memref_slice %arg4[%dma_start3A] : memref<20480xi32, #tpu.memory_space<vmem>> -> memref<12800xi32, #tpu.memory_space<vmem>>
        %dma_start3A_104 = arith.constant 307200 : i32
        %dma_start3A_105 = tpu.memref_slice %arg2[%run_scoped3A, %dma_start3A_104] : memref<2x320000xi32, #tpu.memory_space<hbm>> -> memref<1x12800xi32, #tpu.memory_space<hbm>>
        %dma_start3A_106 = tpu.memref_squeeze %dma_start3A_105 : memref<1x12800xi32, #tpu.memory_space<hbm>> -> memref<12800xi32, #tpu.memory_space<hbm>>
        %dma_start3A_107 = arith.constant 0 : i32
        %dma_start3A_108 = tpu.memref_slice %arg4[%dma_start3A_107] : memref<20480xi32, #tpu.memory_space<vmem>> -> memref<12800xi32, #tpu.memory_space<vmem>>
        %dma_start3A_109 = arith.constant 307200 : i32
        %dma_start3A_110 = tpu.memref_slice %arg2[%run_scoped3A, %dma_start3A_109] : memref<2x320000xi32, #tpu.memory_space<hbm>> -> memref<1x12800xi32, #tpu.memory_space<hbm>>
        %dma_start3A_111 = tpu.memref_squeeze %dma_start3A_110 : memref<1x12800xi32, #tpu.memory_space<hbm>> -> memref<12800xi32, #tpu.memory_space<hbm>>
        tpu.enqueue_dma source(%dma_start3A_111 : memref<12800xi32, #tpu.memory_space<hbm>>) target(%dma_start3A_108 : memref<12800xi32, #tpu.memory_space<vmem>>) target_semaphore(%run_scoped3A_102 : memref<!tpu.dma_semaphore, #tpu.memory_space<semaphore_mem>>)
        %dma_wait3A = arith.constant 0 : i32
        %dma_wait3A_112 = tpu.memref_slice %arg4[%dma_wait3A] : memref<20480xi32, #tpu.memory_space<vmem>> -> memref<12800xi32, #tpu.memory_space<vmem>>
        %dma_wait3A_113 = arith.constant 307200 : i32
        %dma_wait3A_114 = tpu.memref_slice %arg2[%run_scoped3A, %dma_wait3A_113] : memref<2x320000xi32, #tpu.memory_space<hbm>> -> memref<1x12800xi32, #tpu.memory_space<hbm>>
        %dma_wait3A_115 = tpu.memref_squeeze %dma_wait3A_114 : memref<1x12800xi32, #tpu.memory_space<hbm>> -> memref<12800xi32, #tpu.memory_space<hbm>>
        %dma_wait3A_116 = arith.constant 0 : i32
        %dma_wait3A_117 = tpu.memref_slice %arg4[%dma_wait3A_116] : memref<20480xi32, #tpu.memory_space<vmem>> -> memref<12800xi32, #tpu.memory_space<vmem>>
        %dma_wait3A_118 = arith.constant 307200 : i32
        %dma_wait3A_119 = tpu.memref_slice %arg2[%run_scoped3A, %dma_wait3A_118] : memref<2x320000xi32, #tpu.memory_space<hbm>> -> memref<1x12800xi32, #tpu.memory_space<hbm>>
        %dma_wait3A_120 = tpu.memref_squeeze %dma_wait3A_119 : memref<1x12800xi32, #tpu.memory_space<hbm>> -> memref<12800xi32, #tpu.memory_space<hbm>>
        tpu.wait_dma2 semaphore(%run_scoped3A_102 : memref<!tpu.dma_semaphore, #tpu.memory_space<semaphore_mem>>) src(%dma_wait3A_120 : memref<12800xi32, #tpu.memory_space<hbm>>) dst(%dma_wait3A_117 : memref<12800xi32, #tpu.memory_space<vmem>>)
        tpu.yield
      }) : () -> ()
      %run_scoped3A_101 = arith.constant 1 : i32
      "tpu.region"() ({
        %run_scoped3A_102 = tpu.sem_alloc : memref<!tpu.dma_semaphore, #tpu.memory_space<semaphore_mem>>
        %dma_start3A = arith.constant 0 : i32
        %dma_start3A_103 = tpu.memref_slice %arg5[%dma_start3A] : memref<20480xi32, #tpu.memory_space<vmem>> -> memref<12800xi32, #tpu.memory_space<vmem>>
        %dma_start3A_104 = arith.constant 307200 : i32
        %dma_start3A_105 = tpu.memref_slice %arg2[%run_scoped3A_101, %dma_start3A_104] : memref<2x320000xi32, #tpu.memory_space<hbm>> -> memref<1x12800xi32, #tpu.memory_space<hbm>>
        %dma_start3A_106 = tpu.memref_squeeze %dma_start3A_105 : memref<1x12800xi32, #tpu.memory_space<hbm>> -> memref<12800xi32, #tpu.memory_space<hbm>>
        %dma_start3A_107 = arith.constant 0 : i32
        %dma_start3A_108 = tpu.memref_slice %arg5[%dma_start3A_107] : memref<20480xi32, #tpu.memory_space<vmem>> -> memref<12800xi32, #tpu.memory_space<vmem>>
        %dma_start3A_109 = arith.constant 307200 : i32
        %dma_start3A_110 = tpu.memref_slice %arg2[%run_scoped3A_101, %dma_start3A_109] : memref<2x320000xi32, #tpu.memory_space<hbm>> -> memref<1x12800xi32, #tpu.memory_space<hbm>>
        %dma_start3A_111 = tpu.memref_squeeze %dma_start3A_110 : memref<1x12800xi32, #tpu.memory_space<hbm>> -> memref<12800xi32, #tpu.memory_space<hbm>>
        tpu.enqueue_dma source(%dma_start3A_111 : memref<12800xi32, #tpu.memory_space<hbm>>) target(%dma_start3A_108 : memref<12800xi32, #tpu.memory_space<vmem>>) target_semaphore(%run_scoped3A_102 : memref<!tpu.dma_semaphore, #tpu.memory_space<semaphore_mem>>)
        %dma_wait3A = arith.constant 0 : i32
        %dma_wait3A_112 = tpu.memref_slice %arg5[%dma_wait3A] : memref<20480xi32, #tpu.memory_space<vmem>> -> memref<12800xi32, #tpu.memory_space<vmem>>
        %dma_wait3A_113 = arith.constant 307200 : i32
        %dma_wait3A_114 = tpu.memref_slice %arg2[%run_scoped3A_101, %dma_wait3A_113] : memref<2x320000xi32, #tpu.memory_space<hbm>> -> memref<1x12800xi32, #tpu.memory_space<hbm>>
        %dma_wait3A_115 = tpu.memref_squeeze %dma_wait3A_114 : memref<1x12800xi32, #tpu.memory_space<hbm>> -> memref<12800xi32, #tpu.memory_space<hbm>>
        %dma_wait3A_116 = arith.constant 0 : i32
        %dma_wait3A_117 = tpu.memref_slice %arg5[%dma_wait3A_116] : memref<20480xi32, #tpu.memory_space<vmem>> -> memref<12800xi32, #tpu.memory_space<vmem>>
        %dma_wait3A_118 = arith.constant 307200 : i32
        %dma_wait3A_119 = tpu.memref_slice %arg2[%run_scoped3A_101, %dma_wait3A_118] : memref<2x320000xi32, #tpu.memory_space<hbm>> -> memref<1x12800xi32, #tpu.memory_space<hbm>>
        %dma_wait3A_120 = tpu.memref_squeeze %dma_wait3A_119 : memref<1x12800xi32, #tpu.memory_space<hbm>> -> memref<12800xi32, #tpu.memory_space<hbm>>
        tpu.wait_dma2 semaphore(%run_scoped3A_102 : memref<!tpu.dma_semaphore, #tpu.memory_space<semaphore_mem>>) src(%dma_wait3A_120 : memref<12800xi32, #tpu.memory_space<hbm>>) dst(%dma_wait3A_117 : memref<12800xi32, #tpu.memory_space<vmem>>)
        tpu.yield
      }) : () -> ()
    } else {
    }
    %lt3A_6 = arith.constant 15 : i32
    %lt3A_7 = arith.cmpi slt, %arg1, %lt3A_6 : i32
    %jit3A = arith.constant 160 : i32
    %jit3A_8 = arith.constant 100 : i32
    %select_n3A = arith.select %lt3A_7, %jit3A, %jit3A_8 : i32
    %broadcast_in_dim3A = arith.constant 1.000000e+00 : f32
    %broadcast_in_dim3A_9 = vector.broadcast %broadcast_in_dim3A : f32 to vector<16xf32>
    %broadcast_in_dim3A_10 = arith.constant 0.000000e+00 : f32
    %broadcast_in_dim3A_11 = vector.broadcast %broadcast_in_dim3A_10 : f32 to vector<16xf32>
    %scan3A = arith.constant 0 : i32
    %scan3A_12 = arith.constant 0 : i32
    %scan3A_13 = arith.constant 40 : i32
    %scan3A_14 = arith.addi %scan3A_12, %scan3A_13 : i32
    %scan3A_15 = arith.constant 1 : i32
    %scan3A_16 = scf.for %scan3A_101 = %scan3A_12 to %scan3A_14 step %scan3A_15 iter_args(%scan3A_102 = %scan3A) -> (i32)  : i32 {
      %mul3A_103 = arith.constant 16 : i32
      %mul3A_104 = arith.muli %scan3A_101, %mul3A_103 : i32
      %add3A = arith.constant 0 : i32
      %add3A_105 = arith.addi %mul3A_104, %add3A : i32
      %mul3A_106 = arith.constant 16 : i32
      %mul3A_107 = arith.muli %add3A_105, %mul3A_106 : i32
      %swap3A = arith.index_cast %mul3A_107 : i32 to index
      %swap3A_108 = tpu.vector_load %arg6[%swap3A] {strides = array<i32>} : memref<10240xf32, #tpu.memory_space<vmem>>, vector<16xf32>,
      tpu.vector_store %arg6[%swap3A], %broadcast_in_dim3A_11 {strides = array<i32>} : memref<10240xf32, #tpu.memory_space<vmem>>, vector<16xf32>,
      %mul3A_109 = arith.constant 16 : i32
      %mul3A_110 = arith.muli %scan3A_101, %mul3A_109 : i32
      %add3A_111 = arith.constant 1 : i32
      %add3A_112 = arith.addi %mul3A_110, %add3A_111 : i32
      %mul3A_113 = arith.constant 16 : i32
      %mul3A_114 = arith.muli %add3A_112, %mul3A_113 : i32
      %swap3A_115 = arith.index_cast %mul3A_114 : i32 to index
      %swap3A_116 = tpu.vector_load %arg6[%swap3A_115] {strides = array<i32>} : memref<10240xf32, #tpu.memory_space<vmem>>, vector<16xf32>,
      tpu.vector_store %arg6[%swap3A_115], %broadcast_in_dim3A_11 {strides = array<i32>} : memref<10240xf32, #tpu.memory_space<vmem>>, vector<16xf32>,
      %mul3A_117 = arith.constant 16 : i32
      %mul3A_118 = arith.muli %scan3A_101, %mul3A_117 : i32
      %add3A_119 = arith.constant 2 : i32
      %add3A_120 = arith.addi %mul3A_118, %add3A_119 : i32
      %mul3A_121 = arith.constant 16 : i32
      %mul3A_122 = arith.muli %add3A_120, %mul3A_121 : i32
      %swap3A_123 = arith.index_cast %mul3A_122 : i32 to index
      %swap3A_124 = tpu.vector_load %arg6[%swap3A_123] {strides = array<i32>} : memref<10240xf32, #tpu.memory_space<vmem>>, vector<16xf32>,
      tpu.vector_store %arg6[%swap3A_123], %broadcast_in_dim3A_11 {strides = array<i32>} : memref<10240xf32, #tpu.memory_space<vmem>>, vector<16xf32>,
      %mul3A_125 = arith.constant 16 : i32
      %mul3A_126 = arith.muli %scan3A_101, %mul3A_125 : i32
      %add3A_127 = arith.constant 3 : i32
      %add3A_128 = arith.addi %mul3A_126, %add3A_127 : i32
      %mul3A_129 = arith.constant 16 : i32
      %mul3A_130 = arith.muli %add3A_128, %mul3A_129 : i32
      %swap3A_131 = arith.index_cast %mul3A_130 : i32 to index
      %swap3A_132 = tpu.vector_load %arg6[%swap3A_131] {strides = array<i32>} : memref<10240xf32, #tpu.memory_space<vmem>>, vector<16xf32>,
      tpu.vector_store %arg6[%swap3A_131], %broadcast_in_dim3A_11 {strides = array<i32>} : memref<10240xf32, #tpu.memory_space<vmem>>, vector<16xf32>,
      %mul3A_133 = arith.constant 16 : i32
      %mul3A_134 = arith.muli %scan3A_101, %mul3A_133 : i32
      %add3A_135 = arith.constant 4 : i32
      %add3A_136 = arith.addi %mul3A_134, %add3A_135 : i32
      %mul3A_137 = arith.constant 16 : i32
      %mul3A_138 = arith.muli %add3A_136, %mul3A_137 : i32
      %swap3A_139 = arith.index_cast %mul3A_138 : i32 to index
      %swap3A_140 = tpu.vector_load %arg6[%swap3A_139] {strides = array<i32>} : memref<10240xf32, #tpu.memory_space<vmem>>, vector<16xf32>,
      tpu.vector_store %arg6[%swap3A_139], %broadcast_in_dim3A_11 {strides = array<i32>} : memref<10240xf32, #tpu.memory_space<vmem>>, vector<16xf32>,
      %mul3A_141 = arith.constant 16 : i32
      %mul3A_142 = arith.muli %scan3A_101, %mul3A_141 : i32
      %add3A_143 = arith.constant 5 : i32
      %add3A_144 = arith.addi %mul3A_142, %add3A_143 : i32
      %mul3A_145 = arith.constant 16 : i32
      %mul3A_146 = arith.muli %add3A_144, %mul3A_145 : i32
      %swap3A_147 = arith.index_cast %mul3A_146 : i32 to index
      %swap3A_148 = tpu.vector_load %arg6[%swap3A_147] {strides = array<i32>} : memref<10240xf32, #tpu.memory_space<vmem>>, vector<16xf32>,
      tpu.vector_store %arg6[%swap3A_147], %broadcast_in_dim3A_11 {strides = array<i32>} : memref<10240xf32, #tpu.memory_space<vmem>>, vector<16xf32>,
      %mul3A_149 = arith.constant 16 : i32
      %mul3A_150 = arith.muli %scan3A_101, %mul3A_149 : i32
      %add3A_151 = arith.constant 6 : i32
      %add3A_152 = arith.addi %mul3A_150, %add3A_151 : i32
      %mul3A_153 = arith.constant 16 : i32
      %mul3A_154 = arith.muli %add3A_152, %mul3A_153 : i32
      %swap3A_155 = arith.index_cast %mul3A_154 : i32 to index
      %swap3A_156 = tpu.vector_load %arg6[%swap3A_155] {strides = array<i32>} : memref<10240xf32, #tpu.memory_space<vmem>>, vector<16xf32>,
      tpu.vector_store %arg6[%swap3A_155], %broadcast_in_dim3A_11 {strides = array<i32>} : memref<10240xf32, #tpu.memory_space<vmem>>, vector<16xf32>,
      %mul3A_157 = arith.constant 16 : i32
      %mul3A_158 = arith.muli %scan3A_101, %mul3A_157 : i32
      %add3A_159 = arith.constant 7 : i32
      %add3A_160 = arith.addi %mul3A_158, %add3A_159 : i32
      %mul3A_161 = arith.constant 16 : i32
      %mul3A_162 = arith.muli %add3A_160, %mul3A_161 : i32
      %swap3A_163 = arith.index_cast %mul3A_162 : i32 to index
      %swap3A_164 = tpu.vector_load %arg6[%swap3A_163] {strides = array<i32>} : memref<10240xf32, #tpu.memory_space<vmem>>, vector<16xf32>,
      tpu.vector_store %arg6[%swap3A_163], %broadcast_in_dim3A_11 {strides = array<i32>} : memref<10240xf32, #tpu.memory_space<vmem>>, vector<16xf32>,
      %mul3A_165 = arith.constant 16 : i32
      %mul3A_166 = arith.muli %scan3A_101, %mul3A_165 : i32
      %add3A_167 = arith.constant 8 : i32
      %add3A_168 = arith.addi %mul3A_166, %add3A_167 : i32
      %mul3A_169 = arith.constant 16 : i32
      %mul3A_170 = arith.muli %add3A_168, %mul3A_169 : i32
      %swap3A_171 = arith.index_cast %mul3A_170 : i32 to index
      %swap3A_172 = tpu.vector_load %arg6[%swap3A_171] {strides = array<i32>} : memref<10240xf32, #tpu.memory_space<vmem>>, vector<16xf32>,
      tpu.vector_store %arg6[%swap3A_171], %broadcast_in_dim3A_11 {strides = array<i32>} : memref<10240xf32, #tpu.memory_space<vmem>>, vector<16xf32>,
      %mul3A_173 = arith.constant 16 : i32
      %mul3A_174 = arith.muli %scan3A_101, %mul3A_173 : i32
      %add3A_175 = arith.constant 9 : i32
      %add3A_176 = arith.addi %mul3A_174, %add3A_175 : i32
      %mul3A_177 = arith.constant 16 : i32
      %mul3A_178 = arith.muli %add3A_176, %mul3A_177 : i32
      %swap3A_179 = arith.index_cast %mul3A_178 : i32 to index
      %swap3A_180 = tpu.vector_load %arg6[%swap3A_179] {strides = array<i32>} : memref<10240xf32, #tpu.memory_space<vmem>>, vector<16xf32>,
      tpu.vector_store %arg6[%swap3A_179], %broadcast_in_dim3A_11 {strides = array<i32>} : memref<10240xf32, #tpu.memory_space<vmem>>, vector<16xf32>,
      %mul3A_181 = arith.constant 16 : i32
      %mul3A_182 = arith.muli %scan3A_101, %mul3A_181 : i32
      %add3A_183 = arith.constant 10 : i32
      %add3A_184 = arith.addi %mul3A_182, %add3A_183 : i32
      %mul3A_185 = arith.constant 16 : i32
      %mul3A_186 = arith.muli %add3A_184, %mul3A_185 : i32
      %swap3A_187 = arith.index_cast %mul3A_186 : i32 to index
      %swap3A_188 = tpu.vector_load %arg6[%swap3A_187] {strides = array<i32>} : memref<10240xf32, #tpu.memory_space<vmem>>, vector<16xf32>,
      tpu.vector_store %arg6[%swap3A_187], %broadcast_in_dim3A_11 {strides = array<i32>} : memref<10240xf32, #tpu.memory_space<vmem>>, vector<16xf32>,
      %mul3A_189 = arith.constant 16 : i32
      %mul3A_190 = arith.muli %scan3A_101, %mul3A_189 : i32
      %add3A_191 = arith.constant 11 : i32
      %add3A_192 = arith.addi %mul3A_190, %add3A_191 : i32
      %mul3A_193 = arith.constant 16 : i32
      %mul3A_194 = arith.muli %add3A_192, %mul3A_193 : i32
      %swap3A_195 = arith.index_cast %mul3A_194 : i32 to index
      %swap3A_196 = tpu.vector_load %arg6[%swap3A_195] {strides = array<i32>} : memref<10240xf32, #tpu.memory_space<vmem>>, vector<16xf32>,
      tpu.vector_store %arg6[%swap3A_195], %broadcast_in_dim3A_11 {strides = array<i32>} : memref<10240xf32, #tpu.memory_space<vmem>>, vector<16xf32>,
      %mul3A_197 = arith.constant 16 : i32
      %mul3A_198 = arith.muli %scan3A_101, %mul3A_197 : i32
      %add3A_199 = arith.constant 12 : i32
      %add3A_200 = arith.addi %mul3A_198, %add3A_199 : i32
      %mul3A_201 = arith.constant 16 : i32
      %mul3A_202 = arith.muli %add3A_200, %mul3A_201 : i32
      %swap3A_203 = arith.index_cast %mul3A_202 : i32 to index
      %swap3A_204 = tpu.vector_load %arg6[%swap3A_203] {strides = array<i32>} : memref<10240xf32, #tpu.memory_space<vmem>>, vector<16xf32>,
      tpu.vector_store %arg6[%swap3A_203], %broadcast_in_dim3A_11 {strides = array<i32>} : memref<10240xf32, #tpu.memory_space<vmem>>, vector<16xf32>,
      %mul3A_205 = arith.constant 16 : i32
      %mul3A_206 = arith.muli %scan3A_101, %mul3A_205 : i32
      %add3A_207 = arith.constant 13 : i32
      %add3A_208 = arith.addi %mul3A_206, %add3A_207 : i32
      %mul3A_209 = arith.constant 16 : i32
      %mul3A_210 = arith.muli %add3A_208, %mul3A_209 : i32
      %swap3A_211 = arith.index_cast %mul3A_210 : i32 to index
      %swap3A_212 = tpu.vector_load %arg6[%swap3A_211] {strides = array<i32>} : memref<10240xf32, #tpu.memory_space<vmem>>, vector<16xf32>,
      tpu.vector_store %arg6[%swap3A_211], %broadcast_in_dim3A_11 {strides = array<i32>} : memref<10240xf32, #tpu.memory_space<vmem>>, vector<16xf32>,
      %mul3A_213 = arith.constant 16 : i32
      %mul3A_214 = arith.muli %scan3A_101, %mul3A_213 : i32
      %add3A_215 = arith.constant 14 : i32
      %add3A_216 = arith.addi %mul3A_214, %add3A_215 : i32
      %mul3A_217 = arith.constant 16 : i32
      %mul3A_218 = arith.muli %add3A_216, %mul3A_217 : i32
      %swap3A_219 = arith.index_cast %mul3A_218 : i32 to index
      %swap3A_220 = tpu.vector_load %arg6[%swap3A_219] {strides = array<i32>} : memref<10240xf32, #tpu.memory_space<vmem>>, vector<16xf32>,
      tpu.vector_store %arg6[%swap3A_219], %broadcast_in_dim3A_11 {strides = array<i32>} : memref<10240xf32, #tpu.memory_space<vmem>>, vector<16xf32>,
      %mul3A_221 = arith.constant 16 : i32
      %mul3A_222 = arith.muli %scan3A_101, %mul3A_221 : i32
      %add3A_223 = arith.constant 15 : i32
      %add3A_224 = arith.addi %mul3A_222, %add3A_223 : i32
      %mul3A_225 = arith.constant 16 : i32
      %mul3A_226 = arith.muli %add3A_224, %mul3A_225 : i32
      %swap3A_227 = arith.index_cast %mul3A_226 : i32 to index
      %swap3A_228 = tpu.vector_load %arg6[%swap3A_227] {strides = array<i32>} : memref<10240xf32, #tpu.memory_space<vmem>>, vector<16xf32>,
      tpu.vector_store %arg6[%swap3A_227], %broadcast_in_dim3A_11 {strides = array<i32>} : memref<10240xf32, #tpu.memory_space<vmem>>, vector<16xf32>,
      %scan3A_229 = arith.constant 0 : i32
      scf.yield %scan3A_229 : i32
    }
    %scan3A_17 = arith.constant 40 : i32
    %broadcast_in_dim3A_18 = arith.constant 0.000000e+00 : f32
    %broadcast_in_dim3A_19 = vector.broadcast %broadcast_in_dim3A_18 : f32 to vector<16xf32>
    %scan3A_20 = arith.constant 0 : i32
    %scan3A_21 = arith.constant 0 : i32
    %scan3A_22 = arith.constant 40 : i32
    %scan3A_23 = arith.addi %scan3A_21, %scan3A_22 : i32
    %scan3A_24 = arith.constant 1 : i32
    %scan3A_25 = scf.for %scan3A_101 = %scan3A_21 to %scan3A_23 step %scan3A_24 iter_args(%scan3A_102 = %scan3A_20) -> (i32)  : i32 {
      %mul3A_103 = arith.constant 16 : i32
      %mul3A_104 = arith.muli %scan3A_101, %mul3A_103 : i32
      %add3A = arith.constant 0 : i32
      %add3A_105 = arith.addi %mul3A_104, %add3A : i32
      %mul3A_106 = arith.constant 16 : i32
      %mul3A_107 = arith.muli %add3A_105, %mul3A_106 : i32
      %swap3A = arith.index_cast %mul3A_107 : i32 to index
      %swap3A_108 = tpu.vector_load %arg7[%swap3A] {strides = array<i32>} : memref<10240xf32, #tpu.memory_space<vmem>>, vector<16xf32>,
      tpu.vector_store %arg7[%swap3A], %broadcast_in_dim3A_19 {strides = array<i32>} : memref<10240xf32, #tpu.memory_space<vmem>>, vector<16xf32>,
      %mul3A_109 = arith.constant 16 : i32
      %mul3A_110 = arith.muli %scan3A_101, %mul3A_109 : i32
      %add3A_111 = arith.constant 1 : i32
      %add3A_112 = arith.addi %mul3A_110, %add3A_111 : i32
      %mul3A_113 = arith.constant 16 : i32
      %mul3A_114 = arith.muli %add3A_112, %mul3A_113 : i32
      %swap3A_115 = arith.index_cast %mul3A_114 : i32 to index
      %swap3A_116 = tpu.vector_load %arg7[%swap3A_115] {strides = array<i32>} : memref<10240xf32, #tpu.memory_space<vmem>>, vector<16xf32>,
      tpu.vector_store %arg7[%swap3A_115], %broadcast_in_dim3A_19 {strides = array<i32>} : memref<10240xf32, #tpu.memory_space<vmem>>, vector<16xf32>,
      %mul3A_117 = arith.constant 16 : i32
      %mul3A_118 = arith.muli %scan3A_101, %mul3A_117 : i32
      %add3A_119 = arith.constant 2 : i32
      %add3A_120 = arith.addi %mul3A_118, %add3A_119 : i32
      %mul3A_121 = arith.constant 16 : i32
      %mul3A_122 = arith.muli %add3A_120, %mul3A_121 : i32
      %swap3A_123 = arith.index_cast %mul3A_122 : i32 to index
      %swap3A_124 = tpu.vector_load %arg7[%swap3A_123] {strides = array<i32>} : memref<10240xf32, #tpu.memory_space<vmem>>, vector<16xf32>,
      tpu.vector_store %arg7[%swap3A_123], %broadcast_in_dim3A_19 {strides = array<i32>} : memref<10240xf32, #tpu.memory_space<vmem>>, vector<16xf32>,
      %mul3A_125 = arith.constant 16 : i32
      %mul3A_126 = arith.muli %scan3A_101, %mul3A_125 : i32
      %add3A_127 = arith.constant 3 : i32
      %add3A_128 = arith.addi %mul3A_126, %add3A_127 : i32
      %mul3A_129 = arith.constant 16 : i32
      %mul3A_130 = arith.muli %add3A_128, %mul3A_129 : i32
      %swap3A_131 = arith.index_cast %mul3A_130 : i32 to index
      %swap3A_132 = tpu.vector_load %arg7[%swap3A_131] {strides = array<i32>} : memref<10240xf32, #tpu.memory_space<vmem>>, vector<16xf32>,
      tpu.vector_store %arg7[%swap3A_131], %broadcast_in_dim3A_19 {strides = array<i32>} : memref<10240xf32, #tpu.memory_space<vmem>>, vector<16xf32>,
      %mul3A_133 = arith.constant 16 : i32
      %mul3A_134 = arith.muli %scan3A_101, %mul3A_133 : i32
      %add3A_135 = arith.constant 4 : i32
      %add3A_136 = arith.addi %mul3A_134, %add3A_135 : i32
      %mul3A_137 = arith.constant 16 : i32
      %mul3A_138 = arith.muli %add3A_136, %mul3A_137 : i32
      %swap3A_139 = arith.index_cast %mul3A_138 : i32 to index
      %swap3A_140 = tpu.vector_load %arg7[%swap3A_139] {strides = array<i32>} : memref<10240xf32, #tpu.memory_space<vmem>>, vector<16xf32>,
      tpu.vector_store %arg7[%swap3A_139], %broadcast_in_dim3A_19 {strides = array<i32>} : memref<10240xf32, #tpu.memory_space<vmem>>, vector<16xf32>,
      %mul3A_141 = arith.constant 16 : i32
      %mul3A_142 = arith.muli %scan3A_101, %mul3A_141 : i32
      %add3A_143 = arith.constant 5 : i32
      %add3A_144 = arith.addi %mul3A_142, %add3A_143 : i32
      %mul3A_145 = arith.constant 16 : i32
      %mul3A_146 = arith.muli %add3A_144, %mul3A_145 : i32
      %swap3A_147 = arith.index_cast %mul3A_146 : i32 to index
      %swap3A_148 = tpu.vector_load %arg7[%swap3A_147] {strides = array<i32>} : memref<10240xf32, #tpu.memory_space<vmem>>, vector<16xf32>,
      tpu.vector_store %arg7[%swap3A_147], %broadcast_in_dim3A_19 {strides = array<i32>} : memref<10240xf32, #tpu.memory_space<vmem>>, vector<16xf32>,
      %mul3A_149 = arith.constant 16 : i32
      %mul3A_150 = arith.muli %scan3A_101, %mul3A_149 : i32
      %add3A_151 = arith.constant 6 : i32
      %add3A_152 = arith.addi %mul3A_150, %add3A_151 : i32
      %mul3A_153 = arith.constant 16 : i32
      %mul3A_154 = arith.muli %add3A_152, %mul3A_153 : i32
      %swap3A_155 = arith.index_cast %mul3A_154 : i32 to index
      %swap3A_156 = tpu.vector_load %arg7[%swap3A_155] {strides = array<i32>} : memref<10240xf32, #tpu.memory_space<vmem>>, vector<16xf32>,
      tpu.vector_store %arg7[%swap3A_155], %broadcast_in_dim3A_19 {strides = array<i32>} : memref<10240xf32, #tpu.memory_space<vmem>>, vector<16xf32>,
      %mul3A_157 = arith.constant 16 : i32
      %mul3A_158 = arith.muli %scan3A_101, %mul3A_157 : i32
      %add3A_159 = arith.constant 7 : i32
      %add3A_160 = arith.addi %mul3A_158, %add3A_159 : i32
      %mul3A_161 = arith.constant 16 : i32
      %mul3A_162 = arith.muli %add3A_160, %mul3A_161 : i32
      %swap3A_163 = arith.index_cast %mul3A_162 : i32 to index
      %swap3A_164 = tpu.vector_load %arg7[%swap3A_163] {strides = array<i32>} : memref<10240xf32, #tpu.memory_space<vmem>>, vector<16xf32>,
      tpu.vector_store %arg7[%swap3A_163], %broadcast_in_dim3A_19 {strides = array<i32>} : memref<10240xf32, #tpu.memory_space<vmem>>, vector<16xf32>,
      %mul3A_165 = arith.constant 16 : i32
      %mul3A_166 = arith.muli %scan3A_101, %mul3A_165 : i32
      %add3A_167 = arith.constant 8 : i32
      %add3A_168 = arith.addi %mul3A_166, %add3A_167 : i32
      %mul3A_169 = arith.constant 16 : i32
      %mul3A_170 = arith.muli %add3A_168, %mul3A_169 : i32
      %swap3A_171 = arith.index_cast %mul3A_170 : i32 to index
      %swap3A_172 = tpu.vector_load %arg7[%swap3A_171] {strides = array<i32>} : memref<10240xf32, #tpu.memory_space<vmem>>, vector<16xf32>,
      tpu.vector_store %arg7[%swap3A_171], %broadcast_in_dim3A_19 {strides = array<i32>} : memref<10240xf32, #tpu.memory_space<vmem>>, vector<16xf32>,
      %mul3A_173 = arith.constant 16 : i32
      %mul3A_174 = arith.muli %scan3A_101, %mul3A_173 : i32
      %add3A_175 = arith.constant 9 : i32
      %add3A_176 = arith.addi %mul3A_174, %add3A_175 : i32
      %mul3A_177 = arith.constant 16 : i32
      %mul3A_178 = arith.muli %add3A_176, %mul3A_177 : i32
      %swap3A_179 = arith.index_cast %mul3A_178 : i32 to index
      %swap3A_180 = tpu.vector_load %arg7[%swap3A_179] {strides = array<i32>} : memref<10240xf32, #tpu.memory_space<vmem>>, vector<16xf32>,
      tpu.vector_store %arg7[%swap3A_179], %broadcast_in_dim3A_19 {strides = array<i32>} : memref<10240xf32, #tpu.memory_space<vmem>>, vector<16xf32>,
      %mul3A_181 = arith.constant 16 : i32
      %mul3A_182 = arith.muli %scan3A_101, %mul3A_181 : i32
      %add3A_183 = arith.constant 10 : i32
      %add3A_184 = arith.addi %mul3A_182, %add3A_183 : i32
      %mul3A_185 = arith.constant 16 : i32
      %mul3A_186 = arith.muli %add3A_184, %mul3A_185 : i32
      %swap3A_187 = arith.index_cast %mul3A_186 : i32 to index
      %swap3A_188 = tpu.vector_load %arg7[%swap3A_187] {strides = array<i32>} : memref<10240xf32, #tpu.memory_space<vmem>>, vector<16xf32>,
      tpu.vector_store %arg7[%swap3A_187], %broadcast_in_dim3A_19 {strides = array<i32>} : memref<10240xf32, #tpu.memory_space<vmem>>, vector<16xf32>,
      %mul3A_189 = arith.constant 16 : i32
      %mul3A_190 = arith.muli %scan3A_101, %mul3A_189 : i32
      %add3A_191 = arith.constant 11 : i32
      %add3A_192 = arith.addi %mul3A_190, %add3A_191 : i32
      %mul3A_193 = arith.constant 16 : i32
      %mul3A_194 = arith.muli %add3A_192, %mul3A_193 : i32
      %swap3A_195 = arith.index_cast %mul3A_194 : i32 to index
      %swap3A_196 = tpu.vector_load %arg7[%swap3A_195] {strides = array<i32>} : memref<10240xf32, #tpu.memory_space<vmem>>, vector<16xf32>,
      tpu.vector_store %arg7[%swap3A_195], %broadcast_in_dim3A_19 {strides = array<i32>} : memref<10240xf32, #tpu.memory_space<vmem>>, vector<16xf32>,
      %mul3A_197 = arith.constant 16 : i32
      %mul3A_198 = arith.muli %scan3A_101, %mul3A_197 : i32
      %add3A_199 = arith.constant 12 : i32
      %add3A_200 = arith.addi %mul3A_198, %add3A_199 : i32
      %mul3A_201 = arith.constant 16 : i32
      %mul3A_202 = arith.muli %add3A_200, %mul3A_201 : i32
      %swap3A_203 = arith.index_cast %mul3A_202 : i32 to index
      %swap3A_204 = tpu.vector_load %arg7[%swap3A_203] {strides = array<i32>} : memref<10240xf32, #tpu.memory_space<vmem>>, vector<16xf32>,
      tpu.vector_store %arg7[%swap3A_203], %broadcast_in_dim3A_19 {strides = array<i32>} : memref<10240xf32, #tpu.memory_space<vmem>>, vector<16xf32>,
      %mul3A_205 = arith.constant 16 : i32
      %mul3A_206 = arith.muli %scan3A_101, %mul3A_205 : i32
      %add3A_207 = arith.constant 13 : i32
      %add3A_208 = arith.addi %mul3A_206, %add3A_207 : i32
      %mul3A_209 = arith.constant 16 : i32
      %mul3A_210 = arith.muli %add3A_208, %mul3A_209 : i32
      %swap3A_211 = arith.index_cast %mul3A_210 : i32 to index
      %swap3A_212 = tpu.vector_load %arg7[%swap3A_211] {strides = array<i32>} : memref<10240xf32, #tpu.memory_space<vmem>>, vector<16xf32>,
      tpu.vector_store %arg7[%swap3A_211], %broadcast_in_dim3A_19 {strides = array<i32>} : memref<10240xf32, #tpu.memory_space<vmem>>, vector<16xf32>,
      %mul3A_213 = arith.constant 16 : i32
      %mul3A_214 = arith.muli %scan3A_101, %mul3A_213 : i32
      %add3A_215 = arith.constant 14 : i32
      %add3A_216 = arith.addi %mul3A_214, %add3A_215 : i32
      %mul3A_217 = arith.constant 16 : i32
      %mul3A_218 = arith.muli %add3A_216, %mul3A_217 : i32
      %swap3A_219 = arith.index_cast %mul3A_218 : i32 to index
      %swap3A_220 = tpu.vector_load %arg7[%swap3A_219] {strides = array<i32>} : memref<10240xf32, #tpu.memory_space<vmem>>, vector<16xf32>,
      tpu.vector_store %arg7[%swap3A_219], %broadcast_in_dim3A_19 {strides = array<i32>} : memref<10240xf32, #tpu.memory_space<vmem>>, vector<16xf32>,
      %mul3A_221 = arith.constant 16 : i32
      %mul3A_222 = arith.muli %scan3A_101, %mul3A_221 : i32
      %add3A_223 = arith.constant 15 : i32
      %add3A_224 = arith.addi %mul3A_222, %add3A_223 : i32
      %mul3A_225 = arith.constant 16 : i32
      %mul3A_226 = arith.muli %add3A_224, %mul3A_225 : i32
      %swap3A_227 = arith.index_cast %mul3A_226 : i32 to index
      %swap3A_228 = tpu.vector_load %arg7[%swap3A_227] {strides = array<i32>} : memref<10240xf32, #tpu.memory_space<vmem>>, vector<16xf32>,
      tpu.vector_store %arg7[%swap3A_227], %broadcast_in_dim3A_19 {strides = array<i32>} : memref<10240xf32, #tpu.memory_space<vmem>>, vector<16xf32>,
      %scan3A_229 = arith.constant 0 : i32
      scf.yield %scan3A_229 : i32
    }
    %scan3A_26 = arith.constant 40 : i32
    %while3A = arith.constant 0 : i32
    %while3A_27 = arith.constant 0 : i32
    %while3A_28 = arith.subi %select_n3A, %while3A : i32
    %while3A_29 = arith.addi %while3A, %while3A_28 : i32
    %while3A_30 = arith.constant 1 : i32
    %while3A_31 = arith.divsi %while3A_28, %while3A_30 : i32
    %while3A_32 = arith.muli %while3A_31, %while3A_30 : i32
    %while3A_33 = arith.addi %while3A, %while3A_32 : i32
    %while3A_34 = arith.constant 1 : i32
    %while3A_35 = scf.for %while3A_101 = %while3A to %while3A_33 step %while3A_34 iter_args(%while3A_102 = %while3A_27) -> (i32)  : i32 {
      %mul3A_103 = arith.constant 8 : i32
      %mul3A_104 = arith.muli %while3A_101, %mul3A_103 : i32
      %add3A = arith.constant 0 : i32
      %add3A_105 = arith.addi %mul3A_104, %add3A : i32
      %mul3A_106 = arith.constant 16 : i32
      %mul3A_107 = arith.muli %add3A_105, %mul3A_106 : i32
      %get3A = arith.index_cast %mul3A_107 : i32 to index
      %get3A_108 = tpu.vector_load %arg4[%get3A] {strides = array<i32>} : memref<20480xi32, #tpu.memory_space<vmem>>, vector<16xi32>,
      %mul3A_109 = arith.constant 8 : i32
      %mul3A_110 = arith.muli %while3A_101, %mul3A_109 : i32
      %add3A_111 = arith.constant 1 : i32
      %add3A_112 = arith.addi %mul3A_110, %add3A_111 : i32
      %mul3A_113 = arith.constant 16 : i32
      %mul3A_114 = arith.muli %add3A_112, %mul3A_113 : i32
      %get3A_115 = arith.index_cast %mul3A_114 : i32 to index
      %get3A_116 = tpu.vector_load %arg4[%get3A_115] {strides = array<i32>} : memref<20480xi32, #tpu.memory_space<vmem>>, vector<16xi32>,
      %mul3A_117 = arith.constant 8 : i32
      %mul3A_118 = arith.muli %while3A_101, %mul3A_117 : i32
      %add3A_119 = arith.constant 2 : i32
      %add3A_120 = arith.addi %mul3A_118, %add3A_119 : i32
      %mul3A_121 = arith.constant 16 : i32
      %mul3A_122 = arith.muli %add3A_120, %mul3A_121 : i32
      %get3A_123 = arith.index_cast %mul3A_122 : i32 to index
      %get3A_124 = tpu.vector_load %arg4[%get3A_123] {strides = array<i32>} : memref<20480xi32, #tpu.memory_space<vmem>>, vector<16xi32>,
      %mul3A_125 = arith.constant 8 : i32
      %mul3A_126 = arith.muli %while3A_101, %mul3A_125 : i32
      %add3A_127 = arith.constant 3 : i32
      %add3A_128 = arith.addi %mul3A_126, %add3A_127 : i32
      %mul3A_129 = arith.constant 16 : i32
      %mul3A_130 = arith.muli %add3A_128, %mul3A_129 : i32
      %get3A_131 = arith.index_cast %mul3A_130 : i32 to index
      %get3A_132 = tpu.vector_load %arg4[%get3A_131] {strides = array<i32>} : memref<20480xi32, #tpu.memory_space<vmem>>, vector<16xi32>,
      %mul3A_133 = arith.constant 8 : i32
      %mul3A_134 = arith.muli %while3A_101, %mul3A_133 : i32
      %add3A_135 = arith.constant 4 : i32
      %add3A_136 = arith.addi %mul3A_134, %add3A_135 : i32
      %mul3A_137 = arith.constant 16 : i32
      %mul3A_138 = arith.muli %add3A_136, %mul3A_137 : i32
      %get3A_139 = arith.index_cast %mul3A_138 : i32 to index
      %get3A_140 = tpu.vector_load %arg4[%get3A_139] {strides = array<i32>} : memref<20480xi32, #tpu.memory_space<vmem>>, vector<16xi32>,
      %mul3A_141 = arith.constant 8 : i32
      %mul3A_142 = arith.muli %while3A_101, %mul3A_141 : i32
      %add3A_143 = arith.constant 5 : i32
      %add3A_144 = arith.addi %mul3A_142, %add3A_143 : i32
      %mul3A_145 = arith.constant 16 : i32
      %mul3A_146 = arith.muli %add3A_144, %mul3A_145 : i32
      %get3A_147 = arith.index_cast %mul3A_146 : i32 to index
      %get3A_148 = tpu.vector_load %arg4[%get3A_147] {strides = array<i32>} : memref<20480xi32, #tpu.memory_space<vmem>>, vector<16xi32>,
      %mul3A_149 = arith.constant 8 : i32
      %mul3A_150 = arith.muli %while3A_101, %mul3A_149 : i32
      %add3A_151 = arith.constant 6 : i32
      %add3A_152 = arith.addi %mul3A_150, %add3A_151 : i32
      %mul3A_153 = arith.constant 16 : i32
      %mul3A_154 = arith.muli %add3A_152, %mul3A_153 : i32
      %get3A_155 = arith.index_cast %mul3A_154 : i32 to index
      %get3A_156 = tpu.vector_load %arg4[%get3A_155] {strides = array<i32>} : memref<20480xi32, #tpu.memory_space<vmem>>, vector<16xi32>,
      %mul3A_157 = arith.constant 8 : i32
      %mul3A_158 = arith.muli %while3A_101, %mul3A_157 : i32
      %add3A_159 = arith.constant 7 : i32
      %add3A_160 = arith.addi %mul3A_158, %add3A_159 : i32
      %mul3A_161 = arith.constant 16 : i32
      %mul3A_162 = arith.muli %add3A_160, %mul3A_161 : i32
      %get3A_163 = arith.index_cast %mul3A_162 : i32 to index
      %get3A_164 = tpu.vector_load %arg4[%get3A_163] {strides = array<i32>} : memref<20480xi32, #tpu.memory_space<vmem>>, vector<16xi32>,
      %mul3A_165 = arith.constant 8 : i32
      %mul3A_166 = arith.muli %while3A_101, %mul3A_165 : i32
      %add3A_167 = arith.constant 0 : i32
      %add3A_168 = arith.addi %mul3A_166, %add3A_167 : i32
      %mul3A_169 = arith.constant 16 : i32
      %mul3A_170 = arith.muli %add3A_168, %mul3A_169 : i32
      %get3A_171 = arith.index_cast %mul3A_170 : i32 to index
      %get3A_172 = tpu.vector_load %arg5[%get3A_171] {strides = array<i32>} : memref<20480xi32, #tpu.memory_space<vmem>>, vector<16xi32>,
      %mul3A_173 = arith.constant 8 : i32
      %mul3A_174 = arith.muli %while3A_101, %mul3A_173 : i32
      %add3A_175 = arith.constant 1 : i32
      %add3A_176 = arith.addi %mul3A_174, %add3A_175 : i32
      %mul3A_177 = arith.constant 16 : i32
      %mul3A_178 = arith.muli %add3A_176, %mul3A_177 : i32
      %get3A_179 = arith.index_cast %mul3A_178 : i32 to index
      %get3A_180 = tpu.vector_load %arg5[%get3A_179] {strides = array<i32>} : memref<20480xi32, #tpu.memory_space<vmem>>, vector<16xi32>,
      %mul3A_181 = arith.constant 8 : i32
      %mul3A_182 = arith.muli %while3A_101, %mul3A_181 : i32
      %add3A_183 = arith.constant 2 : i32
      %add3A_184 = arith.addi %mul3A_182, %add3A_183 : i32
      %mul3A_185 = arith.constant 16 : i32
      %mul3A_186 = arith.muli %add3A_184, %mul3A_185 : i32
      %get3A_187 = arith.index_cast %mul3A_186 : i32 to index
      %get3A_188 = tpu.vector_load %arg5[%get3A_187] {strides = array<i32>} : memref<20480xi32, #tpu.memory_space<vmem>>, vector<16xi32>,
      %mul3A_189 = arith.constant 8 : i32
      %mul3A_190 = arith.muli %while3A_101, %mul3A_189 : i32
      %add3A_191 = arith.constant 3 : i32
      %add3A_192 = arith.addi %mul3A_190, %add3A_191 : i32
      %mul3A_193 = arith.constant 16 : i32
      %mul3A_194 = arith.muli %add3A_192, %mul3A_193 : i32
      %get3A_195 = arith.index_cast %mul3A_194 : i32 to index
      %get3A_196 = tpu.vector_load %arg5[%get3A_195] {strides = array<i32>} : memref<20480xi32, #tpu.memory_space<vmem>>, vector<16xi32>,
      %mul3A_197 = arith.constant 8 : i32
      %mul3A_198 = arith.muli %while3A_101, %mul3A_197 : i32
      %add3A_199 = arith.constant 4 : i32
      %add3A_200 = arith.addi %mul3A_198, %add3A_199 : i32
      %mul3A_201 = arith.constant 16 : i32
      %mul3A_202 = arith.muli %add3A_200, %mul3A_201 : i32
      %get3A_203 = arith.index_cast %mul3A_202 : i32 to index
      %get3A_204 = tpu.vector_load %arg5[%get3A_203] {strides = array<i32>} : memref<20480xi32, #tpu.memory_space<vmem>>, vector<16xi32>,
      %mul3A_205 = arith.constant 8 : i32
      %mul3A_206 = arith.muli %while3A_101, %mul3A_205 : i32
      %add3A_207 = arith.constant 5 : i32
      %add3A_208 = arith.addi %mul3A_206, %add3A_207 : i32
      %mul3A_209 = arith.constant 16 : i32
      %mul3A_210 = arith.muli %add3A_208, %mul3A_209 : i32
      %get3A_211 = arith.index_cast %mul3A_210 : i32 to index
      %get3A_212 = tpu.vector_load %arg5[%get3A_211] {strides = array<i32>} : memref<20480xi32, #tpu.memory_space<vmem>>, vector<16xi32>,
      %mul3A_213 = arith.constant 8 : i32
      %mul3A_214 = arith.muli %while3A_101, %mul3A_213 : i32
      %add3A_215 = arith.constant 6 : i32
      %add3A_216 = arith.addi %mul3A_214, %add3A_215 : i32
      %mul3A_217 = arith.constant 16 : i32
      %mul3A_218 = arith.muli %add3A_216, %mul3A_217 : i32
      %get3A_219 = arith.index_cast %mul3A_218 : i32 to index
      %get3A_220 = tpu.vector_load %arg5[%get3A_219] {strides = array<i32>} : memref<20480xi32, #tpu.memory_space<vmem>>, vector<16xi32>,
      %mul3A_221 = arith.constant 8 : i32
      %mul3A_222 = arith.muli %while3A_101, %mul3A_221 : i32
      %add3A_223 = arith.constant 7 : i32
      %add3A_224 = arith.addi %mul3A_222, %add3A_223 : i32
      %mul3A_225 = arith.constant 16 : i32
      %mul3A_226 = arith.muli %add3A_224, %mul3A_225 : i32
      %get3A_227 = arith.index_cast %mul3A_226 : i32 to index
      %get3A_228 = tpu.vector_load %arg5[%get3A_227] {strides = array<i32>} : memref<20480xi32, #tpu.memory_space<vmem>>, vector<16xi32>,
      tpu.vector_store_idx %arg6[%get3A_108], %broadcast_in_dim3A_9 {add = true} : memref<10240xf32, #tpu.memory_space<vmem>>[vector<16xi32>], vector<16xf32>,
      tpu.vector_store_idx %arg7[%get3A_172], %broadcast_in_dim3A_9 {add = true} : memref<10240xf32, #tpu.memory_space<vmem>>[vector<16xi32>], vector<16xf32>,
      tpu.vector_store_idx %arg6[%get3A_116], %broadcast_in_dim3A_9 {add = true} : memref<10240xf32, #tpu.memory_space<vmem>>[vector<16xi32>], vector<16xf32>,
      tpu.vector_store_idx %arg7[%get3A_180], %broadcast_in_dim3A_9 {add = true} : memref<10240xf32, #tpu.memory_space<vmem>>[vector<16xi32>], vector<16xf32>,
      tpu.vector_store_idx %arg6[%get3A_124], %broadcast_in_dim3A_9 {add = true} : memref<10240xf32, #tpu.memory_space<vmem>>[vector<16xi32>], vector<16xf32>,
      tpu.vector_store_idx %arg7[%get3A_188], %broadcast_in_dim3A_9 {add = true} : memref<10240xf32, #tpu.memory_space<vmem>>[vector<16xi32>], vector<16xf32>,
      tpu.vector_store_idx %arg6[%get3A_132], %broadcast_in_dim3A_9 {add = true} : memref<10240xf32, #tpu.memory_space<vmem>>[vector<16xi32>], vector<16xf32>,
      tpu.vector_store_idx %arg7[%get3A_196], %broadcast_in_dim3A_9 {add = true} : memref<10240xf32, #tpu.memory_space<vmem>>[vector<16xi32>], vector<16xf32>,
      tpu.vector_store_idx %arg6[%get3A_140], %broadcast_in_dim3A_9 {add = true} : memref<10240xf32, #tpu.memory_space<vmem>>[vector<16xi32>], vector<16xf32>,
      tpu.vector_store_idx %arg7[%get3A_204], %broadcast_in_dim3A_9 {add = true} : memref<10240xf32, #tpu.memory_space<vmem>>[vector<16xi32>], vector<16xf32>,
      tpu.vector_store_idx %arg6[%get3A_148], %broadcast_in_dim3A_9 {add = true} : memref<10240xf32, #tpu.memory_space<vmem>>[vector<16xi32>], vector<16xf32>,
      tpu.vector_store_idx %arg7[%get3A_212], %broadcast_in_dim3A_9 {add = true} : memref<10240xf32, #tpu.memory_space<vmem>>[vector<16xi32>], vector<16xf32>,
      tpu.vector_store_idx %arg6[%get3A_156], %broadcast_in_dim3A_9 {add = true} : memref<10240xf32, #tpu.memory_space<vmem>>[vector<16xi32>], vector<16xf32>,
      tpu.vector_store_idx %arg7[%get3A_220], %broadcast_in_dim3A_9 {add = true} : memref<10240xf32, #tpu.memory_space<vmem>>[vector<16xi32>], vector<16xf32>,
      tpu.vector_store_idx %arg6[%get3A_164], %broadcast_in_dim3A_9 {add = true} : memref<10240xf32, #tpu.memory_space<vmem>>[vector<16xi32>], vector<16xf32>,
      tpu.vector_store_idx %arg7[%get3A_228], %broadcast_in_dim3A_9 {add = true} : memref<10240xf32, #tpu.memory_space<vmem>>[vector<16xi32>], vector<16xf32>,
      %while3A_229 = arith.constant 0 : i32
      scf.yield %while3A_229 : i32
    }
    %while3A_36 = arith.constant 1 : i32
    %while3A_37 = scf.for %while3A_101 = %while3A_33 to %while3A_29 step %while3A_36 iter_args(%while3A_102 = %while3A_35) -> (i32)  : i32 {
      %mul3A_103 = arith.constant 8 : i32
      %mul3A_104 = arith.muli %while3A_101, %mul3A_103 : i32
      %add3A = arith.constant 0 : i32
      %add3A_105 = arith.addi %mul3A_104, %add3A : i32
      %mul3A_106 = arith.constant 16 : i32
      %mul3A_107 = arith.muli %add3A_105, %mul3A_106 : i32
      %get3A = arith.index_cast %mul3A_107 : i32 to index
      %get3A_108 = tpu.vector_load %arg4[%get3A] {strides = array<i32>} : memref<20480xi32, #tpu.memory_space<vmem>>, vector<16xi32>,
      %mul3A_109 = arith.constant 8 : i32
      %mul3A_110 = arith.muli %while3A_101, %mul3A_109 : i32
      %add3A_111 = arith.constant 1 : i32
      %add3A_112 = arith.addi %mul3A_110, %add3A_111 : i32
      %mul3A_113 = arith.constant 16 : i32
      %mul3A_114 = arith.muli %add3A_112, %mul3A_113 : i32
      %get3A_115 = arith.index_cast %mul3A_114 : i32 to index
      %get3A_116 = tpu.vector_load %arg4[%get3A_115] {strides = array<i32>} : memref<20480xi32, #tpu.memory_space<vmem>>, vector<16xi32>,
      %mul3A_117 = arith.constant 8 : i32
      %mul3A_118 = arith.muli %while3A_101, %mul3A_117 : i32
      %add3A_119 = arith.constant 2 : i32
      %add3A_120 = arith.addi %mul3A_118, %add3A_119 : i32
      %mul3A_121 = arith.constant 16 : i32
      %mul3A_122 = arith.muli %add3A_120, %mul3A_121 : i32
      %get3A_123 = arith.index_cast %mul3A_122 : i32 to index
      %get3A_124 = tpu.vector_load %arg4[%get3A_123] {strides = array<i32>} : memref<20480xi32, #tpu.memory_space<vmem>>, vector<16xi32>,
      %mul3A_125 = arith.constant 8 : i32
      %mul3A_126 = arith.muli %while3A_101, %mul3A_125 : i32
      %add3A_127 = arith.constant 3 : i32
      %add3A_128 = arith.addi %mul3A_126, %add3A_127 : i32
      %mul3A_129 = arith.constant 16 : i32
      %mul3A_130 = arith.muli %add3A_128, %mul3A_129 : i32
      %get3A_131 = arith.index_cast %mul3A_130 : i32 to index
      %get3A_132 = tpu.vector_load %arg4[%get3A_131] {strides = array<i32>} : memref<20480xi32, #tpu.memory_space<vmem>>, vector<16xi32>,
      %mul3A_133 = arith.constant 8 : i32
      %mul3A_134 = arith.muli %while3A_101, %mul3A_133 : i32
      %add3A_135 = arith.constant 4 : i32
      %add3A_136 = arith.addi %mul3A_134, %add3A_135 : i32
      %mul3A_137 = arith.constant 16 : i32
      %mul3A_138 = arith.muli %add3A_136, %mul3A_137 : i32
      %get3A_139 = arith.index_cast %mul3A_138 : i32 to index
      %get3A_140 = tpu.vector_load %arg4[%get3A_139] {strides = array<i32>} : memref<20480xi32, #tpu.memory_space<vmem>>, vector<16xi32>,
      %mul3A_141 = arith.constant 8 : i32
      %mul3A_142 = arith.muli %while3A_101, %mul3A_141 : i32
      %add3A_143 = arith.constant 5 : i32
      %add3A_144 = arith.addi %mul3A_142, %add3A_143 : i32
      %mul3A_145 = arith.constant 16 : i32
      %mul3A_146 = arith.muli %add3A_144, %mul3A_145 : i32
      %get3A_147 = arith.index_cast %mul3A_146 : i32 to index
      %get3A_148 = tpu.vector_load %arg4[%get3A_147] {strides = array<i32>} : memref<20480xi32, #tpu.memory_space<vmem>>, vector<16xi32>,
      %mul3A_149 = arith.constant 8 : i32
      %mul3A_150 = arith.muli %while3A_101, %mul3A_149 : i32
      %add3A_151 = arith.constant 6 : i32
      %add3A_152 = arith.addi %mul3A_150, %add3A_151 : i32
      %mul3A_153 = arith.constant 16 : i32
      %mul3A_154 = arith.muli %add3A_152, %mul3A_153 : i32
      %get3A_155 = arith.index_cast %mul3A_154 : i32 to index
      %get3A_156 = tpu.vector_load %arg4[%get3A_155] {strides = array<i32>} : memref<20480xi32, #tpu.memory_space<vmem>>, vector<16xi32>,
      %mul3A_157 = arith.constant 8 : i32
      %mul3A_158 = arith.muli %while3A_101, %mul3A_157 : i32
      %add3A_159 = arith.constant 7 : i32
      %add3A_160 = arith.addi %mul3A_158, %add3A_159 : i32
      %mul3A_161 = arith.constant 16 : i32
      %mul3A_162 = arith.muli %add3A_160, %mul3A_161 : i32
      %get3A_163 = arith.index_cast %mul3A_162 : i32 to index
      %get3A_164 = tpu.vector_load %arg4[%get3A_163] {strides = array<i32>} : memref<20480xi32, #tpu.memory_space<vmem>>, vector<16xi32>,
      %mul3A_165 = arith.constant 8 : i32
      %mul3A_166 = arith.muli %while3A_101, %mul3A_165 : i32
      %add3A_167 = arith.constant 0 : i32
      %add3A_168 = arith.addi %mul3A_166, %add3A_167 : i32
      %mul3A_169 = arith.constant 16 : i32
      %mul3A_170 = arith.muli %add3A_168, %mul3A_169 : i32
      %get3A_171 = arith.index_cast %mul3A_170 : i32 to index
      %get3A_172 = tpu.vector_load %arg5[%get3A_171] {strides = array<i32>} : memref<20480xi32, #tpu.memory_space<vmem>>, vector<16xi32>,
      %mul3A_173 = arith.constant 8 : i32
      %mul3A_174 = arith.muli %while3A_101, %mul3A_173 : i32
      %add3A_175 = arith.constant 1 : i32
      %add3A_176 = arith.addi %mul3A_174, %add3A_175 : i32
      %mul3A_177 = arith.constant 16 : i32
      %mul3A_178 = arith.muli %add3A_176, %mul3A_177 : i32
      %get3A_179 = arith.index_cast %mul3A_178 : i32 to index
      %get3A_180 = tpu.vector_load %arg5[%get3A_179] {strides = array<i32>} : memref<20480xi32, #tpu.memory_space<vmem>>, vector<16xi32>,
      %mul3A_181 = arith.constant 8 : i32
      %mul3A_182 = arith.muli %while3A_101, %mul3A_181 : i32
      %add3A_183 = arith.constant 2 : i32
      %add3A_184 = arith.addi %mul3A_182, %add3A_183 : i32
      %mul3A_185 = arith.constant 16 : i32
      %mul3A_186 = arith.muli %add3A_184, %mul3A_185 : i32
      %get3A_187 = arith.index_cast %mul3A_186 : i32 to index
      %get3A_188 = tpu.vector_load %arg5[%get3A_187] {strides = array<i32>} : memref<20480xi32, #tpu.memory_space<vmem>>, vector<16xi32>,
      %mul3A_189 = arith.constant 8 : i32
      %mul3A_190 = arith.muli %while3A_101, %mul3A_189 : i32
      %add3A_191 = arith.constant 3 : i32
      %add3A_192 = arith.addi %mul3A_190, %add3A_191 : i32
      %mul3A_193 = arith.constant 16 : i32
      %mul3A_194 = arith.muli %add3A_192, %mul3A_193 : i32
      %get3A_195 = arith.index_cast %mul3A_194 : i32 to index
      %get3A_196 = tpu.vector_load %arg5[%get3A_195] {strides = array<i32>} : memref<20480xi32, #tpu.memory_space<vmem>>, vector<16xi32>,
      %mul3A_197 = arith.constant 8 : i32
      %mul3A_198 = arith.muli %while3A_101, %mul3A_197 : i32
      %add3A_199 = arith.constant 4 : i32
      %add3A_200 = arith.addi %mul3A_198, %add3A_199 : i32
      %mul3A_201 = arith.constant 16 : i32
      %mul3A_202 = arith.muli %add3A_200, %mul3A_201 : i32
      %get3A_203 = arith.index_cast %mul3A_202 : i32 to index
      %get3A_204 = tpu.vector_load %arg5[%get3A_203] {strides = array<i32>} : memref<20480xi32, #tpu.memory_space<vmem>>, vector<16xi32>,
      %mul3A_205 = arith.constant 8 : i32
      %mul3A_206 = arith.muli %while3A_101, %mul3A_205 : i32
      %add3A_207 = arith.constant 5 : i32
      %add3A_208 = arith.addi %mul3A_206, %add3A_207 : i32
      %mul3A_209 = arith.constant 16 : i32
      %mul3A_210 = arith.muli %add3A_208, %mul3A_209 : i32
      %get3A_211 = arith.index_cast %mul3A_210 : i32 to index
      %get3A_212 = tpu.vector_load %arg5[%get3A_211] {strides = array<i32>} : memref<20480xi32, #tpu.memory_space<vmem>>, vector<16xi32>,
      %mul3A_213 = arith.constant 8 : i32
      %mul3A_214 = arith.muli %while3A_101, %mul3A_213 : i32
      %add3A_215 = arith.constant 6 : i32
      %add3A_216 = arith.addi %mul3A_214, %add3A_215 : i32
      %mul3A_217 = arith.constant 16 : i32
      %mul3A_218 = arith.muli %add3A_216, %mul3A_217 : i32
      %get3A_219 = arith.index_cast %mul3A_218 : i32 to index
      %get3A_220 = tpu.vector_load %arg5[%get3A_219] {strides = array<i32>} : memref<20480xi32, #tpu.memory_space<vmem>>, vector<16xi32>,
      %mul3A_221 = arith.constant 8 : i32
      %mul3A_222 = arith.muli %while3A_101, %mul3A_221 : i32
      %add3A_223 = arith.constant 7 : i32
      %add3A_224 = arith.addi %mul3A_222, %add3A_223 : i32
      %mul3A_225 = arith.constant 16 : i32
      %mul3A_226 = arith.muli %add3A_224, %mul3A_225 : i32
      %get3A_227 = arith.index_cast %mul3A_226 : i32 to index
      %get3A_228 = tpu.vector_load %arg5[%get3A_227] {strides = array<i32>} : memref<20480xi32, #tpu.memory_space<vmem>>, vector<16xi32>,
      tpu.vector_store_idx %arg6[%get3A_108], %broadcast_in_dim3A_9 {add = true} : memref<10240xf32, #tpu.memory_space<vmem>>[vector<16xi32>], vector<16xf32>,
      tpu.vector_store_idx %arg7[%get3A_172], %broadcast_in_dim3A_9 {add = true} : memref<10240xf32, #tpu.memory_space<vmem>>[vector<16xi32>], vector<16xf32>,
      tpu.vector_store_idx %arg6[%get3A_116], %broadcast_in_dim3A_9 {add = true} : memref<10240xf32, #tpu.memory_space<vmem>>[vector<16xi32>], vector<16xf32>,
      tpu.vector_store_idx %arg7[%get3A_180], %broadcast_in_dim3A_9 {add = true} : memref<10240xf32, #tpu.memory_space<vmem>>[vector<16xi32>], vector<16xf32>,
      tpu.vector_store_idx %arg6[%get3A_124], %broadcast_in_dim3A_9 {add = true} : memref<10240xf32, #tpu.memory_space<vmem>>[vector<16xi32>], vector<16xf32>,
      tpu.vector_store_idx %arg7[%get3A_188], %broadcast_in_dim3A_9 {add = true} : memref<10240xf32, #tpu.memory_space<vmem>>[vector<16xi32>], vector<16xf32>,
      tpu.vector_store_idx %arg6[%get3A_132], %broadcast_in_dim3A_9 {add = true} : memref<10240xf32, #tpu.memory_space<vmem>>[vector<16xi32>], vector<16xf32>,
      tpu.vector_store_idx %arg7[%get3A_196], %broadcast_in_dim3A_9 {add = true} : memref<10240xf32, #tpu.memory_space<vmem>>[vector<16xi32>], vector<16xf32>,
      tpu.vector_store_idx %arg6[%get3A_140], %broadcast_in_dim3A_9 {add = true} : memref<10240xf32, #tpu.memory_space<vmem>>[vector<16xi32>], vector<16xf32>,
      tpu.vector_store_idx %arg7[%get3A_204], %broadcast_in_dim3A_9 {add = true} : memref<10240xf32, #tpu.memory_space<vmem>>[vector<16xi32>], vector<16xf32>,
      tpu.vector_store_idx %arg6[%get3A_148], %broadcast_in_dim3A_9 {add = true} : memref<10240xf32, #tpu.memory_space<vmem>>[vector<16xi32>], vector<16xf32>,
      tpu.vector_store_idx %arg7[%get3A_212], %broadcast_in_dim3A_9 {add = true} : memref<10240xf32, #tpu.memory_space<vmem>>[vector<16xi32>], vector<16xf32>,
      tpu.vector_store_idx %arg6[%get3A_156], %broadcast_in_dim3A_9 {add = true} : memref<10240xf32, #tpu.memory_space<vmem>>[vector<16xi32>], vector<16xf32>,
      tpu.vector_store_idx %arg7[%get3A_220], %broadcast_in_dim3A_9 {add = true} : memref<10240xf32, #tpu.memory_space<vmem>>[vector<16xi32>], vector<16xf32>,
      tpu.vector_store_idx %arg6[%get3A_164], %broadcast_in_dim3A_9 {add = true} : memref<10240xf32, #tpu.memory_space<vmem>>[vector<16xi32>], vector<16xf32>,
      tpu.vector_store_idx %arg7[%get3A_228], %broadcast_in_dim3A_9 {add = true} : memref<10240xf32, #tpu.memory_space<vmem>>[vector<16xi32>], vector<16xf32>,
      %while3A_229 = arith.constant 0 : i32
      scf.yield %while3A_229 : i32
    }
    "tpu.region"() ({
      %run_scoped3A = tpu.sem_alloc : memref<!tpu.dma_semaphore, #tpu.memory_space<semaphore_mem>>
      %dma_start3A = arith.constant 0 : i32
      %dma_start3A_101 = tpu.memref_slice %arg12[%arg1, %dma_start3A] : memref<16x10240xf32, #tpu.memory_space<vmem_shared>> -> memref<1x10240xf32, #tpu.memory_space<vmem_shared>>
      %dma_start3A_102 = tpu.memref_squeeze %dma_start3A_101 : memref<1x10240xf32, #tpu.memory_space<vmem_shared>> -> memref<10240xf32, #tpu.memory_space<vmem_shared>>
      %dma_start3A_103 = arith.constant 0 : i32
      %dma_start3A_104 = tpu.memref_slice %arg12[%arg1, %dma_start3A_103] : memref<16x10240xf32, #tpu.memory_space<vmem_shared>> -> memref<1x10240xf32, #tpu.memory_space<vmem_shared>>
      %dma_start3A_105 = tpu.memref_squeeze %dma_start3A_104 : memref<1x10240xf32, #tpu.memory_space<vmem_shared>> -> memref<10240xf32, #tpu.memory_space<vmem_shared>>
      tpu.enqueue_dma source(%arg6 : memref<10240xf32, #tpu.memory_space<vmem>>) target(%dma_start3A_105 : memref<10240xf32, #tpu.memory_space<vmem_shared>>) target_semaphore(%run_scoped3A : memref<!tpu.dma_semaphore, #tpu.memory_space<semaphore_mem>>)
      %dma_wait3A = arith.constant 0 : i32
      %dma_wait3A_106 = tpu.memref_slice %arg12[%arg1, %dma_wait3A] : memref<16x10240xf32, #tpu.memory_space<vmem_shared>> -> memref<1x10240xf32, #tpu.memory_space<vmem_shared>>
      %dma_wait3A_107 = tpu.memref_squeeze %dma_wait3A_106 : memref<1x10240xf32, #tpu.memory_space<vmem_shared>> -> memref<10240xf32, #tpu.memory_space<vmem_shared>>
      %dma_wait3A_108 = arith.constant 0 : i32
      %dma_wait3A_109 = tpu.memref_slice %arg12[%arg1, %dma_wait3A_108] : memref<16x10240xf32, #tpu.memory_space<vmem_shared>> -> memref<1x10240xf32, #tpu.memory_space<vmem_shared>>
      %dma_wait3A_110 = tpu.memref_squeeze %dma_wait3A_109 : memref<1x10240xf32, #tpu.memory_space<vmem_shared>> -> memref<10240xf32, #tpu.memory_space<vmem_shared>>
      tpu.wait_dma2 semaphore(%run_scoped3A : memref<!tpu.dma_semaphore, #tpu.memory_space<semaphore_mem>>) src(%arg6 : memref<10240xf32, #tpu.memory_space<vmem>>) dst(%dma_wait3A_110 : memref<10240xf32, #tpu.memory_space<vmem_shared>>)
      tpu.yield
    }) : () -> ()
    "tpu.region"() ({
      %run_scoped3A = tpu.sem_alloc : memref<!tpu.dma_semaphore, #tpu.memory_space<semaphore_mem>>
      %dma_start3A = arith.constant 0 : i32
      %dma_start3A_101 = tpu.memref_slice %arg13[%arg1, %dma_start3A] : memref<16x10240xf32, #tpu.memory_space<vmem_shared>> -> memref<1x10240xf32, #tpu.memory_space<vmem_shared>>
      %dma_start3A_102 = tpu.memref_squeeze %dma_start3A_101 : memref<1x10240xf32, #tpu.memory_space<vmem_shared>> -> memref<10240xf32, #tpu.memory_space<vmem_shared>>
      %dma_start3A_103 = arith.constant 0 : i32
      %dma_start3A_104 = tpu.memref_slice %arg13[%arg1, %dma_start3A_103] : memref<16x10240xf32, #tpu.memory_space<vmem_shared>> -> memref<1x10240xf32, #tpu.memory_space<vmem_shared>>
      %dma_start3A_105 = tpu.memref_squeeze %dma_start3A_104 : memref<1x10240xf32, #tpu.memory_space<vmem_shared>> -> memref<10240xf32, #tpu.memory_space<vmem_shared>>
      tpu.enqueue_dma source(%arg7 : memref<10240xf32, #tpu.memory_space<vmem>>) target(%dma_start3A_105 : memref<10240xf32, #tpu.memory_space<vmem_shared>>) target_semaphore(%run_scoped3A : memref<!tpu.dma_semaphore, #tpu.memory_space<semaphore_mem>>)
      %dma_wait3A = arith.constant 0 : i32
      %dma_wait3A_106 = tpu.memref_slice %arg13[%arg1, %dma_wait3A] : memref<16x10240xf32, #tpu.memory_space<vmem_shared>> -> memref<1x10240xf32, #tpu.memory_space<vmem_shared>>
      %dma_wait3A_107 = tpu.memref_squeeze %dma_wait3A_106 : memref<1x10240xf32, #tpu.memory_space<vmem_shared>> -> memref<10240xf32, #tpu.memory_space<vmem_shared>>
      %dma_wait3A_108 = arith.constant 0 : i32
      %dma_wait3A_109 = tpu.memref_slice %arg13[%arg1, %dma_wait3A_108] : memref<16x10240xf32, #tpu.memory_space<vmem_shared>> -> memref<1x10240xf32, #tpu.memory_space<vmem_shared>>
      %dma_wait3A_110 = tpu.memref_squeeze %dma_wait3A_109 : memref<1x10240xf32, #tpu.memory_space<vmem_shared>> -> memref<10240xf32, #tpu.memory_space<vmem_shared>>
      tpu.wait_dma2 semaphore(%run_scoped3A : memref<!tpu.dma_semaphore, #tpu.memory_space<semaphore_mem>>) src(%arg7 : memref<10240xf32, #tpu.memory_space<vmem>>) dst(%dma_wait3A_110 : memref<10240xf32, #tpu.memory_space<vmem_shared>>)
      tpu.yield
    }) : () -> ()
    %barrier3A = arith.constant 0 : index
    tpu.barrier barrier_id(%barrier3A)
    %mul3A = arith.constant 640 : i32
    %mul3A_38 = arith.muli %arg1, %mul3A : i32
    "tpu.region"() ({
      %run_scoped3A = tpu.sem_alloc : memref<!tpu.dma_semaphore, #tpu.memory_space<semaphore_mem>>
      %dma_start3A = arith.constant 0 : i32
      %dma_start3A_101 = tpu.memref_slice %arg12[%dma_start3A, %mul3A_38] : memref<16x10240xf32, #tpu.memory_space<vmem_shared>> -> memref<16x640xf32, #tpu.memory_space<vmem_shared>>
      %dma_start3A_102 = arith.constant 0 : i32
      %dma_start3A_103 = tpu.memref_slice %arg12[%dma_start3A_102, %mul3A_38] : memref<16x10240xf32, #tpu.memory_space<vmem_shared>> -> memref<16x640xf32, #tpu.memory_space<vmem_shared>>
      tpu.enqueue_dma source(%dma_start3A_103 : memref<16x640xf32, #tpu.memory_space<vmem_shared>>) target(%arg8 : memref<16x640xf32, #tpu.memory_space<vmem>>) target_semaphore(%run_scoped3A : memref<!tpu.dma_semaphore, #tpu.memory_space<semaphore_mem>>)
      %dma_wait3A = arith.constant 0 : i32
      %dma_wait3A_104 = tpu.memref_slice %arg12[%dma_wait3A, %mul3A_38] : memref<16x10240xf32, #tpu.memory_space<vmem_shared>> -> memref<16x640xf32, #tpu.memory_space<vmem_shared>>
      %dma_wait3A_105 = arith.constant 0 : i32
      %dma_wait3A_106 = tpu.memref_slice %arg12[%dma_wait3A_105, %mul3A_38] : memref<16x10240xf32, #tpu.memory_space<vmem_shared>> -> memref<16x640xf32, #tpu.memory_space<vmem_shared>>
      tpu.wait_dma2 semaphore(%run_scoped3A : memref<!tpu.dma_semaphore, #tpu.memory_space<semaphore_mem>>) src(%dma_wait3A_106 : memref<16x640xf32, #tpu.memory_space<vmem_shared>>) dst(%arg8 : memref<16x640xf32, #tpu.memory_space<vmem>>)
      tpu.yield
    }) : () -> ()
    %scan3A_39 = arith.constant 0 : i32
    %scan3A_40 = arith.constant 0 : i32
    %scan3A_41 = arith.constant 40 : i32
    %scan3A_42 = arith.addi %scan3A_40, %scan3A_41 : i32
    %scan3A_43 = arith.constant 1 : i32
    %scan3A_44 = scf.for %scan3A_101 = %scan3A_40 to %scan3A_42 step %scan3A_43 iter_args(%scan3A_102 = %scan3A_39) -> (i32)  : i32 {
      %mul3A_103 = arith.constant 16 : i32
      %mul3A_104 = arith.muli %scan3A_101, %mul3A_103 : i32
      %get3A = arith.constant 0 : i32
      %get3A_105 = arith.index_cast %get3A : i32 to index
      %get3A_106 = arith.index_cast %mul3A_104 : i32 to index
      %get3A_107 = tpu.vector_load %arg8[%get3A_105, %get3A_106] {strides = array<i32>} : memref<16x640xf32, #tpu.memory_space<vmem>>, vector<16xf32>,
      %mul3A_108 = arith.constant 16 : i32
      %mul3A_109 = arith.muli %scan3A_101, %mul3A_108 : i32
      %get3A_110 = arith.constant 1 : i32
      %get3A_111 = arith.index_cast %get3A_110 : i32 to index
      %get3A_112 = arith.index_cast %mul3A_109 : i32 to index
      %get3A_113 = tpu.vector_load %arg8[%get3A_111, %get3A_112] {strides = array<i32>} : memref<16x640xf32, #tpu.memory_space<vmem>>, vector<16xf32>,
      %mul3A_114 = arith.constant 16 : i32
      %mul3A_115 = arith.muli %scan3A_101, %mul3A_114 : i32
      %get3A_116 = arith.constant 2 : i32
      %get3A_117 = arith.index_cast %get3A_116 : i32 to index
      %get3A_118 = arith.index_cast %mul3A_115 : i32 to index
      %get3A_119 = tpu.vector_load %arg8[%get3A_117, %get3A_118] {strides = array<i32>} : memref<16x640xf32, #tpu.memory_space<vmem>>, vector<16xf32>,
      %mul3A_120 = arith.constant 16 : i32
      %mul3A_121 = arith.muli %scan3A_101, %mul3A_120 : i32
      %get3A_122 = arith.constant 3 : i32
      %get3A_123 = arith.index_cast %get3A_122 : i32 to index
      %get3A_124 = arith.index_cast %mul3A_121 : i32 to index
      %get3A_125 = tpu.vector_load %arg8[%get3A_123, %get3A_124] {strides = array<i32>} : memref<16x640xf32, #tpu.memory_space<vmem>>, vector<16xf32>,
      %mul3A_126 = arith.constant 16 : i32
      %mul3A_127 = arith.muli %scan3A_101, %mul3A_126 : i32
      %get3A_128 = arith.constant 4 : i32
      %get3A_129 = arith.index_cast %get3A_128 : i32 to index
      %get3A_130 = arith.index_cast %mul3A_127 : i32 to index
      %get3A_131 = tpu.vector_load %arg8[%get3A_129, %get3A_130] {strides = array<i32>} : memref<16x640xf32, #tpu.memory_space<vmem>>, vector<16xf32>,
      %mul3A_132 = arith.constant 16 : i32
      %mul3A_133 = arith.muli %scan3A_101, %mul3A_132 : i32
      %get3A_134 = arith.constant 5 : i32
      %get3A_135 = arith.index_cast %get3A_134 : i32 to index
      %get3A_136 = arith.index_cast %mul3A_133 : i32 to index
      %get3A_137 = tpu.vector_load %arg8[%get3A_135, %get3A_136] {strides = array<i32>} : memref<16x640xf32, #tpu.memory_space<vmem>>, vector<16xf32>,
      %mul3A_138 = arith.constant 16 : i32
      %mul3A_139 = arith.muli %scan3A_101, %mul3A_138 : i32
      %get3A_140 = arith.constant 6 : i32
      %get3A_141 = arith.index_cast %get3A_140 : i32 to index
      %get3A_142 = arith.index_cast %mul3A_139 : i32 to index
      %get3A_143 = tpu.vector_load %arg8[%get3A_141, %get3A_142] {strides = array<i32>} : memref<16x640xf32, #tpu.memory_space<vmem>>, vector<16xf32>,
      %mul3A_144 = arith.constant 16 : i32
      %mul3A_145 = arith.muli %scan3A_101, %mul3A_144 : i32
      %get3A_146 = arith.constant 7 : i32
      %get3A_147 = arith.index_cast %get3A_146 : i32 to index
      %get3A_148 = arith.index_cast %mul3A_145 : i32 to index
      %get3A_149 = tpu.vector_load %arg8[%get3A_147, %get3A_148] {strides = array<i32>} : memref<16x640xf32, #tpu.memory_space<vmem>>, vector<16xf32>,
      %mul3A_150 = arith.constant 16 : i32
      %mul3A_151 = arith.muli %scan3A_101, %mul3A_150 : i32
      %get3A_152 = arith.constant 8 : i32
      %get3A_153 = arith.index_cast %get3A_152 : i32 to index
      %get3A_154 = arith.index_cast %mul3A_151 : i32 to index
      %get3A_155 = tpu.vector_load %arg8[%get3A_153, %get3A_154] {strides = array<i32>} : memref<16x640xf32, #tpu.memory_space<vmem>>, vector<16xf32>,
      %mul3A_156 = arith.constant 16 : i32
      %mul3A_157 = arith.muli %scan3A_101, %mul3A_156 : i32
      %get3A_158 = arith.constant 9 : i32
      %get3A_159 = arith.index_cast %get3A_158 : i32 to index
      %get3A_160 = arith.index_cast %mul3A_157 : i32 to index
      %get3A_161 = tpu.vector_load %arg8[%get3A_159, %get3A_160] {strides = array<i32>} : memref<16x640xf32, #tpu.memory_space<vmem>>, vector<16xf32>,
      %mul3A_162 = arith.constant 16 : i32
      %mul3A_163 = arith.muli %scan3A_101, %mul3A_162 : i32
      %get3A_164 = arith.constant 10 : i32
      %get3A_165 = arith.index_cast %get3A_164 : i32 to index
      %get3A_166 = arith.index_cast %mul3A_163 : i32 to index
      %get3A_167 = tpu.vector_load %arg8[%get3A_165, %get3A_166] {strides = array<i32>} : memref<16x640xf32, #tpu.memory_space<vmem>>, vector<16xf32>,
      %mul3A_168 = arith.constant 16 : i32
      %mul3A_169 = arith.muli %scan3A_101, %mul3A_168 : i32
      %get3A_170 = arith.constant 11 : i32
      %get3A_171 = arith.index_cast %get3A_170 : i32 to index
      %get3A_172 = arith.index_cast %mul3A_169 : i32 to index
      %get3A_173 = tpu.vector_load %arg8[%get3A_171, %get3A_172] {strides = array<i32>} : memref<16x640xf32, #tpu.memory_space<vmem>>, vector<16xf32>,
      %mul3A_174 = arith.constant 16 : i32
      %mul3A_175 = arith.muli %scan3A_101, %mul3A_174 : i32
      %get3A_176 = arith.constant 12 : i32
      %get3A_177 = arith.index_cast %get3A_176 : i32 to index
      %get3A_178 = arith.index_cast %mul3A_175 : i32 to index
      %get3A_179 = tpu.vector_load %arg8[%get3A_177, %get3A_178] {strides = array<i32>} : memref<16x640xf32, #tpu.memory_space<vmem>>, vector<16xf32>,
      %mul3A_180 = arith.constant 16 : i32
      %mul3A_181 = arith.muli %scan3A_101, %mul3A_180 : i32
      %get3A_182 = arith.constant 13 : i32
      %get3A_183 = arith.index_cast %get3A_182 : i32 to index
      %get3A_184 = arith.index_cast %mul3A_181 : i32 to index
      %get3A_185 = tpu.vector_load %arg8[%get3A_183, %get3A_184] {strides = array<i32>} : memref<16x640xf32, #tpu.memory_space<vmem>>, vector<16xf32>,
      %mul3A_186 = arith.constant 16 : i32
      %mul3A_187 = arith.muli %scan3A_101, %mul3A_186 : i32
      %get3A_188 = arith.constant 14 : i32
      %get3A_189 = arith.index_cast %get3A_188 : i32 to index
      %get3A_190 = arith.index_cast %mul3A_187 : i32 to index
      %get3A_191 = tpu.vector_load %arg8[%get3A_189, %get3A_190] {strides = array<i32>} : memref<16x640xf32, #tpu.memory_space<vmem>>, vector<16xf32>,
      %mul3A_192 = arith.constant 16 : i32
      %mul3A_193 = arith.muli %scan3A_101, %mul3A_192 : i32
      %get3A_194 = arith.constant 15 : i32
      %get3A_195 = arith.index_cast %get3A_194 : i32 to index
      %get3A_196 = arith.index_cast %mul3A_193 : i32 to index
      %get3A_197 = tpu.vector_load %arg8[%get3A_195, %get3A_196] {strides = array<i32>} : memref<16x640xf32, #tpu.memory_space<vmem>>, vector<16xf32>,
      %add3A = arith.addf %get3A_107, %get3A_113 : vector<16xf32>
      %add3A_198 = arith.addf %get3A_119, %get3A_125 : vector<16xf32>
      %add3A_199 = arith.addf %get3A_131, %get3A_137 : vector<16xf32>
      %add3A_200 = arith.addf %get3A_143, %get3A_149 : vector<16xf32>
      %add3A_201 = arith.addf %get3A_155, %get3A_161 : vector<16xf32>
      %add3A_202 = arith.addf %get3A_167, %get3A_173 : vector<16xf32>
      %add3A_203 = arith.addf %get3A_179, %get3A_185 : vector<16xf32>
      %add3A_204 = arith.addf %get3A_191, %get3A_197 : vector<16xf32>
      %add3A_205 = arith.addf %add3A, %add3A_198 : vector<16xf32>
      %add3A_206 = arith.addf %add3A_199, %add3A_200 : vector<16xf32>
      %add3A_207 = arith.addf %add3A_201, %add3A_202 : vector<16xf32>
      %add3A_208 = arith.addf %add3A_203, %add3A_204 : vector<16xf32>
      %add3A_209 = arith.addf %add3A_205, %add3A_206 : vector<16xf32>
      %add3A_210 = arith.addf %add3A_207, %add3A_208 : vector<16xf32>
      %add3A_211 = arith.addf %add3A_209, %add3A_210 : vector<16xf32>
      %max3A = arith.constant 1.000000e+00 : f32
      %max3A_212 = vector.broadcast %max3A : f32 to vector<16xf32>
      %max3A_213 = arith.maximumf %add3A_211, %max3A_212 : vector<16xf32>
      %bitcast3A = vector.bitcast %max3A_213 : vector<16xf32> to vector<16xi32>
      %shift_right_arithmetic3A = arith.constant 1 : i32
      %shift_right_arithmetic3A_214 = vector.broadcast %shift_right_arithmetic3A : i32 to vector<16xi32>
      %shift_right_arithmetic3A_215 = arith.shrsi %bitcast3A, %shift_right_arithmetic3A_214 : vector<16xi32>
      %sub3A = arith.constant 1597463007 : i32
      %sub3A_216 = vector.broadcast %sub3A : i32 to vector<16xi32>
      %sub3A_217 = arith.subi %sub3A_216, %shift_right_arithmetic3A_215 : vector<16xi32>
      %bitcast3A_218 = vector.bitcast %sub3A_217 : vector<16xi32> to vector<16xf32>
      %mul3A_219 = arith.constant 5.000000e-01 : f32
      %mul3A_220 = vector.broadcast %mul3A_219 : f32 to vector<16xf32>
      %mul3A_221 = arith.mulf %mul3A_220, %max3A_213 : vector<16xf32>
      %mul3A_222 = arith.mulf %mul3A_221, %bitcast3A_218 : vector<16xf32>
      %mul3A_223 = arith.mulf %mul3A_222, %bitcast3A_218 : vector<16xf32>
      %sub3A_224 = arith.constant 1.500000e+00 : f32
      %sub3A_225 = vector.broadcast %sub3A_224 : f32 to vector<16xf32>
      %sub3A_226 = arith.subf %sub3A_225, %mul3A_223 : vector<16xf32>
      %mul3A_227 = arith.mulf %bitcast3A_218, %sub3A_226 : vector<16xf32>
      %mul3A_228 = arith.constant 5.000000e-01 : f32
      %mul3A_229 = vector.broadcast %mul3A_228 : f32 to vector<16xf32>
      %mul3A_230 = arith.mulf %mul3A_229, %max3A_213 : vector<16xf32>
      %mul3A_231 = arith.mulf %mul3A_230, %mul3A_227 : vector<16xf32>
      %mul3A_232 = arith.mulf %mul3A_231, %mul3A_227 : vector<16xf32>
      %sub3A_233 = arith.constant 1.500000e+00 : f32
      %sub3A_234 = vector.broadcast %sub3A_233 : f32 to vector<16xf32>
      %sub3A_235 = arith.subf %sub3A_234, %mul3A_232 : vector<16xf32>
      %mul3A_236 = arith.mulf %mul3A_227, %sub3A_235 : vector<16xf32>
      %mul3A_237 = arith.constant 5.000000e-01 : f32
      %mul3A_238 = vector.broadcast %mul3A_237 : f32 to vector<16xf32>
      %mul3A_239 = arith.mulf %mul3A_238, %max3A_213 : vector<16xf32>
      %mul3A_240 = arith.mulf %mul3A_239, %mul3A_236 : vector<16xf32>
      %mul3A_241 = arith.mulf %mul3A_240, %mul3A_236 : vector<16xf32>
      %sub3A_242 = arith.constant 1.500000e+00 : f32
      %sub3A_243 = vector.broadcast %sub3A_242 : f32 to vector<16xf32>
      %sub3A_244 = arith.subf %sub3A_243, %mul3A_241 : vector<16xf32>
      %mul3A_245 = arith.mulf %mul3A_236, %sub3A_244 : vector<16xf32>
      %mul3A_246 = arith.constant 16 : i32
      %mul3A_247 = arith.muli %scan3A_101, %mul3A_246 : i32
      %swap3A = arith.index_cast %mul3A_247 : i32 to index
      %swap3A_248 = tpu.vector_load %arg10[%swap3A] {strides = array<i32>} : memref<640xf32, #tpu.memory_space<vmem>>, vector<16xf32>,
      tpu.vector_store %arg10[%swap3A], %mul3A_245 {strides = array<i32>} : memref<640xf32, #tpu.memory_space<vmem>>, vector<16xf32>,
      %scan3A_249 = arith.constant 0 : i32
      scf.yield %scan3A_249 : i32
    }
    %scan3A_45 = arith.constant 40 : i32
    %mul3A_46 = arith.constant 640 : i32
    %mul3A_47 = arith.muli %arg1, %mul3A_46 : i32
    "tpu.region"() ({
      %run_scoped3A = tpu.sem_alloc : memref<!tpu.dma_semaphore, #tpu.memory_space<semaphore_mem>>
      %dma_start3A = arith.constant 0 : i32
      %dma_start3A_101 = tpu.memref_slice %arg13[%dma_start3A, %mul3A_47] : memref<16x10240xf32, #tpu.memory_space<vmem_shared>> -> memref<16x640xf32, #tpu.memory_space<vmem_shared>>
      %dma_start3A_102 = arith.constant 0 : i32
      %dma_start3A_103 = tpu.memref_slice %arg13[%dma_start3A_102, %mul3A_47] : memref<16x10240xf32, #tpu.memory_space<vmem_shared>> -> memref<16x640xf32, #tpu.memory_space<vmem_shared>>
      tpu.enqueue_dma source(%dma_start3A_103 : memref<16x640xf32, #tpu.memory_space<vmem_shared>>) target(%arg8 : memref<16x640xf32, #tpu.memory_space<vmem>>) target_semaphore(%run_scoped3A : memref<!tpu.dma_semaphore, #tpu.memory_space<semaphore_mem>>)
      %dma_wait3A = arith.constant 0 : i32
      %dma_wait3A_104 = tpu.memref_slice %arg13[%dma_wait3A, %mul3A_47] : memref<16x10240xf32, #tpu.memory_space<vmem_shared>> -> memref<16x640xf32, #tpu.memory_space<vmem_shared>>
      %dma_wait3A_105 = arith.constant 0 : i32
      %dma_wait3A_106 = tpu.memref_slice %arg13[%dma_wait3A_105, %mul3A_47] : memref<16x10240xf32, #tpu.memory_space<vmem_shared>> -> memref<16x640xf32, #tpu.memory_space<vmem_shared>>
      tpu.wait_dma2 semaphore(%run_scoped3A : memref<!tpu.dma_semaphore, #tpu.memory_space<semaphore_mem>>) src(%dma_wait3A_106 : memref<16x640xf32, #tpu.memory_space<vmem_shared>>) dst(%arg8 : memref<16x640xf32, #tpu.memory_space<vmem>>)
      tpu.yield
    }) : () -> ()
    %scan3A_48 = arith.constant 0 : i32
    %scan3A_49 = arith.constant 0 : i32
    %scan3A_50 = arith.constant 40 : i32
    %scan3A_51 = arith.addi %scan3A_49, %scan3A_50 : i32
    %scan3A_52 = arith.constant 1 : i32
    %scan3A_53 = scf.for %scan3A_101 = %scan3A_49 to %scan3A_51 step %scan3A_52 iter_args(%scan3A_102 = %scan3A_48) -> (i32)  : i32 {
      %mul3A_103 = arith.constant 16 : i32
      %mul3A_104 = arith.muli %scan3A_101, %mul3A_103 : i32
      %get3A = arith.constant 0 : i32
      %get3A_105 = arith.index_cast %get3A : i32 to index
      %get3A_106 = arith.index_cast %mul3A_104 : i32 to index
      %get3A_107 = tpu.vector_load %arg8[%get3A_105, %get3A_106] {strides = array<i32>} : memref<16x640xf32, #tpu.memory_space<vmem>>, vector<16xf32>,
      %mul3A_108 = arith.constant 16 : i32
      %mul3A_109 = arith.muli %scan3A_101, %mul3A_108 : i32
      %get3A_110 = arith.constant 1 : i32
      %get3A_111 = arith.index_cast %get3A_110 : i32 to index
      %get3A_112 = arith.index_cast %mul3A_109 : i32 to index
      %get3A_113 = tpu.vector_load %arg8[%get3A_111, %get3A_112] {strides = array<i32>} : memref<16x640xf32, #tpu.memory_space<vmem>>, vector<16xf32>,
      %mul3A_114 = arith.constant 16 : i32
      %mul3A_115 = arith.muli %scan3A_101, %mul3A_114 : i32
      %get3A_116 = arith.constant 2 : i32
      %get3A_117 = arith.index_cast %get3A_116 : i32 to index
      %get3A_118 = arith.index_cast %mul3A_115 : i32 to index
      %get3A_119 = tpu.vector_load %arg8[%get3A_117, %get3A_118] {strides = array<i32>} : memref<16x640xf32, #tpu.memory_space<vmem>>, vector<16xf32>,
      %mul3A_120 = arith.constant 16 : i32
      %mul3A_121 = arith.muli %scan3A_101, %mul3A_120 : i32
      %get3A_122 = arith.constant 3 : i32
      %get3A_123 = arith.index_cast %get3A_122 : i32 to index
      %get3A_124 = arith.index_cast %mul3A_121 : i32 to index
      %get3A_125 = tpu.vector_load %arg8[%get3A_123, %get3A_124] {strides = array<i32>} : memref<16x640xf32, #tpu.memory_space<vmem>>, vector<16xf32>,
      %mul3A_126 = arith.constant 16 : i32
      %mul3A_127 = arith.muli %scan3A_101, %mul3A_126 : i32
      %get3A_128 = arith.constant 4 : i32
      %get3A_129 = arith.index_cast %get3A_128 : i32 to index
      %get3A_130 = arith.index_cast %mul3A_127 : i32 to index
      %get3A_131 = tpu.vector_load %arg8[%get3A_129, %get3A_130] {strides = array<i32>} : memref<16x640xf32, #tpu.memory_space<vmem>>, vector<16xf32>,
      %mul3A_132 = arith.constant 16 : i32
      %mul3A_133 = arith.muli %scan3A_101, %mul3A_132 : i32
      %get3A_134 = arith.constant 5 : i32
      %get3A_135 = arith.index_cast %get3A_134 : i32 to index
      %get3A_136 = arith.index_cast %mul3A_133 : i32 to index
      %get3A_137 = tpu.vector_load %arg8[%get3A_135, %get3A_136] {strides = array<i32>} : memref<16x640xf32, #tpu.memory_space<vmem>>, vector<16xf32>,
      %mul3A_138 = arith.constant 16 : i32
      %mul3A_139 = arith.muli %scan3A_101, %mul3A_138 : i32
      %get3A_140 = arith.constant 6 : i32
      %get3A_141 = arith.index_cast %get3A_140 : i32 to index
      %get3A_142 = arith.index_cast %mul3A_139 : i32 to index
      %get3A_143 = tpu.vector_load %arg8[%get3A_141, %get3A_142] {strides = array<i32>} : memref<16x640xf32, #tpu.memory_space<vmem>>, vector<16xf32>,
      %mul3A_144 = arith.constant 16 : i32
      %mul3A_145 = arith.muli %scan3A_101, %mul3A_144 : i32
      %get3A_146 = arith.constant 7 : i32
      %get3A_147 = arith.index_cast %get3A_146 : i32 to index
      %get3A_148 = arith.index_cast %mul3A_145 : i32 to index
      %get3A_149 = tpu.vector_load %arg8[%get3A_147, %get3A_148] {strides = array<i32>} : memref<16x640xf32, #tpu.memory_space<vmem>>, vector<16xf32>,
      %mul3A_150 = arith.constant 16 : i32
      %mul3A_151 = arith.muli %scan3A_101, %mul3A_150 : i32
      %get3A_152 = arith.constant 8 : i32
      %get3A_153 = arith.index_cast %get3A_152 : i32 to index
      %get3A_154 = arith.index_cast %mul3A_151 : i32 to index
      %get3A_155 = tpu.vector_load %arg8[%get3A_153, %get3A_154] {strides = array<i32>} : memref<16x640xf32, #tpu.memory_space<vmem>>, vector<16xf32>,
      %mul3A_156 = arith.constant 16 : i32
      %mul3A_157 = arith.muli %scan3A_101, %mul3A_156 : i32
      %get3A_158 = arith.constant 9 : i32
      %get3A_159 = arith.index_cast %get3A_158 : i32 to index
      %get3A_160 = arith.index_cast %mul3A_157 : i32 to index
      %get3A_161 = tpu.vector_load %arg8[%get3A_159, %get3A_160] {strides = array<i32>} : memref<16x640xf32, #tpu.memory_space<vmem>>, vector<16xf32>,
      %mul3A_162 = arith.constant 16 : i32
      %mul3A_163 = arith.muli %scan3A_101, %mul3A_162 : i32
      %get3A_164 = arith.constant 10 : i32
      %get3A_165 = arith.index_cast %get3A_164 : i32 to index
      %get3A_166 = arith.index_cast %mul3A_163 : i32 to index
      %get3A_167 = tpu.vector_load %arg8[%get3A_165, %get3A_166] {strides = array<i32>} : memref<16x640xf32, #tpu.memory_space<vmem>>, vector<16xf32>,
      %mul3A_168 = arith.constant 16 : i32
      %mul3A_169 = arith.muli %scan3A_101, %mul3A_168 : i32
      %get3A_170 = arith.constant 11 : i32
      %get3A_171 = arith.index_cast %get3A_170 : i32 to index
      %get3A_172 = arith.index_cast %mul3A_169 : i32 to index
      %get3A_173 = tpu.vector_load %arg8[%get3A_171, %get3A_172] {strides = array<i32>} : memref<16x640xf32, #tpu.memory_space<vmem>>, vector<16xf32>,
      %mul3A_174 = arith.constant 16 : i32
      %mul3A_175 = arith.muli %scan3A_101, %mul3A_174 : i32
      %get3A_176 = arith.constant 12 : i32
      %get3A_177 = arith.index_cast %get3A_176 : i32 to index
      %get3A_178 = arith.index_cast %mul3A_175 : i32 to index
      %get3A_179 = tpu.vector_load %arg8[%get3A_177, %get3A_178] {strides = array<i32>} : memref<16x640xf32, #tpu.memory_space<vmem>>, vector<16xf32>,
      %mul3A_180 = arith.constant 16 : i32
      %mul3A_181 = arith.muli %scan3A_101, %mul3A_180 : i32
      %get3A_182 = arith.constant 13 : i32
      %get3A_183 = arith.index_cast %get3A_182 : i32 to index
      %get3A_184 = arith.index_cast %mul3A_181 : i32 to index
      %get3A_185 = tpu.vector_load %arg8[%get3A_183, %get3A_184] {strides = array<i32>} : memref<16x640xf32, #tpu.memory_space<vmem>>, vector<16xf32>,
      %mul3A_186 = arith.constant 16 : i32
      %mul3A_187 = arith.muli %scan3A_101, %mul3A_186 : i32
      %get3A_188 = arith.constant 14 : i32
      %get3A_189 = arith.index_cast %get3A_188 : i32 to index
      %get3A_190 = arith.index_cast %mul3A_187 : i32 to index
      %get3A_191 = tpu.vector_load %arg8[%get3A_189, %get3A_190] {strides = array<i32>} : memref<16x640xf32, #tpu.memory_space<vmem>>, vector<16xf32>,
      %mul3A_192 = arith.constant 16 : i32
      %mul3A_193 = arith.muli %scan3A_101, %mul3A_192 : i32
      %get3A_194 = arith.constant 15 : i32
      %get3A_195 = arith.index_cast %get3A_194 : i32 to index
      %get3A_196 = arith.index_cast %mul3A_193 : i32 to index
      %get3A_197 = tpu.vector_load %arg8[%get3A_195, %get3A_196] {strides = array<i32>} : memref<16x640xf32, #tpu.memory_space<vmem>>, vector<16xf32>,
      %add3A = arith.addf %get3A_107, %get3A_113 : vector<16xf32>
      %add3A_198 = arith.addf %get3A_119, %get3A_125 : vector<16xf32>
      %add3A_199 = arith.addf %get3A_131, %get3A_137 : vector<16xf32>
      %add3A_200 = arith.addf %get3A_143, %get3A_149 : vector<16xf32>
      %add3A_201 = arith.addf %get3A_155, %get3A_161 : vector<16xf32>
      %add3A_202 = arith.addf %get3A_167, %get3A_173 : vector<16xf32>
      %add3A_203 = arith.addf %get3A_179, %get3A_185 : vector<16xf32>
      %add3A_204 = arith.addf %get3A_191, %get3A_197 : vector<16xf32>
      %add3A_205 = arith.addf %add3A, %add3A_198 : vector<16xf32>
      %add3A_206 = arith.addf %add3A_199, %add3A_200 : vector<16xf32>
      %add3A_207 = arith.addf %add3A_201, %add3A_202 : vector<16xf32>
      %add3A_208 = arith.addf %add3A_203, %add3A_204 : vector<16xf32>
      %add3A_209 = arith.addf %add3A_205, %add3A_206 : vector<16xf32>
      %add3A_210 = arith.addf %add3A_207, %add3A_208 : vector<16xf32>
      %add3A_211 = arith.addf %add3A_209, %add3A_210 : vector<16xf32>
      %max3A = arith.constant 1.000000e+00 : f32
      %max3A_212 = vector.broadcast %max3A : f32 to vector<16xf32>
      %max3A_213 = arith.maximumf %add3A_211, %max3A_212 : vector<16xf32>
      %bitcast3A = vector.bitcast %max3A_213 : vector<16xf32> to vector<16xi32>
      %shift_right_arithmetic3A = arith.constant 1 : i32
      %shift_right_arithmetic3A_214 = vector.broadcast %shift_right_arithmetic3A : i32 to vector<16xi32>
      %shift_right_arithmetic3A_215 = arith.shrsi %bitcast3A, %shift_right_arithmetic3A_214 : vector<16xi32>
      %sub3A = arith.constant 1597463007 : i32
      %sub3A_216 = vector.broadcast %sub3A : i32 to vector<16xi32>
      %sub3A_217 = arith.subi %sub3A_216, %shift_right_arithmetic3A_215 : vector<16xi32>
      %bitcast3A_218 = vector.bitcast %sub3A_217 : vector<16xi32> to vector<16xf32>
      %mul3A_219 = arith.constant 5.000000e-01 : f32
      %mul3A_220 = vector.broadcast %mul3A_219 : f32 to vector<16xf32>
      %mul3A_221 = arith.mulf %mul3A_220, %max3A_213 : vector<16xf32>
      %mul3A_222 = arith.mulf %mul3A_221, %bitcast3A_218 : vector<16xf32>
      %mul3A_223 = arith.mulf %mul3A_222, %bitcast3A_218 : vector<16xf32>
      %sub3A_224 = arith.constant 1.500000e+00 : f32
      %sub3A_225 = vector.broadcast %sub3A_224 : f32 to vector<16xf32>
      %sub3A_226 = arith.subf %sub3A_225, %mul3A_223 : vector<16xf32>
      %mul3A_227 = arith.mulf %bitcast3A_218, %sub3A_226 : vector<16xf32>
      %mul3A_228 = arith.constant 5.000000e-01 : f32
      %mul3A_229 = vector.broadcast %mul3A_228 : f32 to vector<16xf32>
      %mul3A_230 = arith.mulf %mul3A_229, %max3A_213 : vector<16xf32>
      %mul3A_231 = arith.mulf %mul3A_230, %mul3A_227 : vector<16xf32>
      %mul3A_232 = arith.mulf %mul3A_231, %mul3A_227 : vector<16xf32>
      %sub3A_233 = arith.constant 1.500000e+00 : f32
      %sub3A_234 = vector.broadcast %sub3A_233 : f32 to vector<16xf32>
      %sub3A_235 = arith.subf %sub3A_234, %mul3A_232 : vector<16xf32>
      %mul3A_236 = arith.mulf %mul3A_227, %sub3A_235 : vector<16xf32>
      %mul3A_237 = arith.constant 5.000000e-01 : f32
      %mul3A_238 = vector.broadcast %mul3A_237 : f32 to vector<16xf32>
      %mul3A_239 = arith.mulf %mul3A_238, %max3A_213 : vector<16xf32>
      %mul3A_240 = arith.mulf %mul3A_239, %mul3A_236 : vector<16xf32>
      %mul3A_241 = arith.mulf %mul3A_240, %mul3A_236 : vector<16xf32>
      %sub3A_242 = arith.constant 1.500000e+00 : f32
      %sub3A_243 = vector.broadcast %sub3A_242 : f32 to vector<16xf32>
      %sub3A_244 = arith.subf %sub3A_243, %mul3A_241 : vector<16xf32>
      %mul3A_245 = arith.mulf %mul3A_236, %sub3A_244 : vector<16xf32>
      %mul3A_246 = arith.constant 16 : i32
      %mul3A_247 = arith.muli %scan3A_101, %mul3A_246 : i32
      %swap3A = arith.index_cast %mul3A_247 : i32 to index
      %swap3A_248 = tpu.vector_load %arg11[%swap3A] {strides = array<i32>} : memref<640xf32, #tpu.memory_space<vmem>>, vector<16xf32>,
      tpu.vector_store %arg11[%swap3A], %mul3A_245 {strides = array<i32>} : memref<640xf32, #tpu.memory_space<vmem>>, vector<16xf32>,
      %scan3A_249 = arith.constant 0 : i32
      scf.yield %scan3A_249 : i32
    }
    %scan3A_54 = arith.constant 40 : i32
    %mul3A_55 = arith.constant 640 : i32
    %mul3A_56 = arith.muli %arg1, %mul3A_55 : i32
    "tpu.region"() ({
      %run_scoped3A = tpu.sem_alloc : memref<!tpu.dma_semaphore, #tpu.memory_space<semaphore_mem>>
      %dma_start3A = tpu.memref_slice %arg14[%mul3A_56] : memref<10240xf32, #tpu.memory_space<vmem_shared>> -> memref<640xf32, #tpu.memory_space<vmem_shared>>
      %dma_start3A_101 = tpu.memref_slice %arg14[%mul3A_56] : memref<10240xf32, #tpu.memory_space<vmem_shared>> -> memref<640xf32, #tpu.memory_space<vmem_shared>>
      tpu.enqueue_dma source(%arg11 : memref<640xf32, #tpu.memory_space<vmem>>) target(%dma_start3A_101 : memref<640xf32, #tpu.memory_space<vmem_shared>>) target_semaphore(%run_scoped3A : memref<!tpu.dma_semaphore, #tpu.memory_space<semaphore_mem>>)
      %dma_wait3A = tpu.memref_slice %arg14[%mul3A_56] : memref<10240xf32, #tpu.memory_space<vmem_shared>> -> memref<640xf32, #tpu.memory_space<vmem_shared>>
      %dma_wait3A_102 = tpu.memref_slice %arg14[%mul3A_56] : memref<10240xf32, #tpu.memory_space<vmem_shared>> -> memref<640xf32, #tpu.memory_space<vmem_shared>>
      tpu.wait_dma2 semaphore(%run_scoped3A : memref<!tpu.dma_semaphore, #tpu.memory_space<semaphore_mem>>) src(%arg11 : memref<640xf32, #tpu.memory_space<vmem>>) dst(%dma_wait3A_102 : memref<640xf32, #tpu.memory_space<vmem_shared>>)
      tpu.yield
    }) : () -> ()
    %barrier3A_57 = arith.constant 0 : index
    tpu.barrier barrier_id(%barrier3A_57)
    "tpu.region"() ({
      %run_scoped3A = tpu.sem_alloc : memref<!tpu.dma_semaphore, #tpu.memory_space<semaphore_mem>>
      tpu.enqueue_dma source(%arg14 : memref<10240xf32, #tpu.memory_space<vmem_shared>>) target(%arg9 : memref<10240xf32, #tpu.memory_space<vmem>>) target_semaphore(%run_scoped3A : memref<!tpu.dma_semaphore, #tpu.memory_space<semaphore_mem>>)
      tpu.wait_dma2 semaphore(%run_scoped3A : memref<!tpu.dma_semaphore, #tpu.memory_space<semaphore_mem>>) src(%arg14 : memref<10240xf32, #tpu.memory_space<vmem_shared>>) dst(%arg9 : memref<10240xf32, #tpu.memory_space<vmem>>)
      tpu.yield
    }) : () -> ()
    %broadcast_in_dim3A_58 = arith.constant 0.000000e+00 : f32
    %broadcast_in_dim3A_59 = vector.broadcast %broadcast_in_dim3A_58 : f32 to vector<16xf32>
    %scan3A_60 = arith.constant 0 : i32
    %scan3A_61 = arith.constant 0 : i32
    %scan3A_62 = arith.constant 40 : i32
    %scan3A_63 = arith.addi %scan3A_61, %scan3A_62 : i32
    %scan3A_64 = arith.constant 1 : i32
    %scan3A_65 = scf.for %scan3A_101 = %scan3A_61 to %scan3A_63 step %scan3A_64 iter_args(%scan3A_102 = %scan3A_60) -> (i32)  : i32 {
      %mul3A_103 = arith.constant 16 : i32
      %mul3A_104 = arith.muli %scan3A_101, %mul3A_103 : i32
      %add3A = arith.constant 0 : i32
      %add3A_105 = arith.addi %mul3A_104, %add3A : i32
      %mul3A_106 = arith.constant 16 : i32
      %mul3A_107 = arith.muli %add3A_105, %mul3A_106 : i32
      %swap3A = arith.index_cast %mul3A_107 : i32 to index
      %swap3A_108 = tpu.vector_load %arg6[%swap3A] {strides = array<i32>} : memref<10240xf32, #tpu.memory_space<vmem>>, vector<16xf32>,
      tpu.vector_store %arg6[%swap3A], %broadcast_in_dim3A_59 {strides = array<i32>} : memref<10240xf32, #tpu.memory_space<vmem>>, vector<16xf32>,
      %mul3A_109 = arith.constant 16 : i32
      %mul3A_110 = arith.muli %scan3A_101, %mul3A_109 : i32
      %add3A_111 = arith.constant 1 : i32
      %add3A_112 = arith.addi %mul3A_110, %add3A_111 : i32
      %mul3A_113 = arith.constant 16 : i32
      %mul3A_114 = arith.muli %add3A_112, %mul3A_113 : i32
      %swap3A_115 = arith.index_cast %mul3A_114 : i32 to index
      %swap3A_116 = tpu.vector_load %arg6[%swap3A_115] {strides = array<i32>} : memref<10240xf32, #tpu.memory_space<vmem>>, vector<16xf32>,
      tpu.vector_store %arg6[%swap3A_115], %broadcast_in_dim3A_59 {strides = array<i32>} : memref<10240xf32, #tpu.memory_space<vmem>>, vector<16xf32>,
      %mul3A_117 = arith.constant 16 : i32
      %mul3A_118 = arith.muli %scan3A_101, %mul3A_117 : i32
      %add3A_119 = arith.constant 2 : i32
      %add3A_120 = arith.addi %mul3A_118, %add3A_119 : i32
      %mul3A_121 = arith.constant 16 : i32
      %mul3A_122 = arith.muli %add3A_120, %mul3A_121 : i32
      %swap3A_123 = arith.index_cast %mul3A_122 : i32 to index
      %swap3A_124 = tpu.vector_load %arg6[%swap3A_123] {strides = array<i32>} : memref<10240xf32, #tpu.memory_space<vmem>>, vector<16xf32>,
      tpu.vector_store %arg6[%swap3A_123], %broadcast_in_dim3A_59 {strides = array<i32>} : memref<10240xf32, #tpu.memory_space<vmem>>, vector<16xf32>,
      %mul3A_125 = arith.constant 16 : i32
      %mul3A_126 = arith.muli %scan3A_101, %mul3A_125 : i32
      %add3A_127 = arith.constant 3 : i32
      %add3A_128 = arith.addi %mul3A_126, %add3A_127 : i32
      %mul3A_129 = arith.constant 16 : i32
      %mul3A_130 = arith.muli %add3A_128, %mul3A_129 : i32
      %swap3A_131 = arith.index_cast %mul3A_130 : i32 to index
      %swap3A_132 = tpu.vector_load %arg6[%swap3A_131] {strides = array<i32>} : memref<10240xf32, #tpu.memory_space<vmem>>, vector<16xf32>,
      tpu.vector_store %arg6[%swap3A_131], %broadcast_in_dim3A_59 {strides = array<i32>} : memref<10240xf32, #tpu.memory_space<vmem>>, vector<16xf32>,
      %mul3A_133 = arith.constant 16 : i32
      %mul3A_134 = arith.muli %scan3A_101, %mul3A_133 : i32
      %add3A_135 = arith.constant 4 : i32
      %add3A_136 = arith.addi %mul3A_134, %add3A_135 : i32
      %mul3A_137 = arith.constant 16 : i32
      %mul3A_138 = arith.muli %add3A_136, %mul3A_137 : i32
      %swap3A_139 = arith.index_cast %mul3A_138 : i32 to index
      %swap3A_140 = tpu.vector_load %arg6[%swap3A_139] {strides = array<i32>} : memref<10240xf32, #tpu.memory_space<vmem>>, vector<16xf32>,
      tpu.vector_store %arg6[%swap3A_139], %broadcast_in_dim3A_59 {strides = array<i32>} : memref<10240xf32, #tpu.memory_space<vmem>>, vector<16xf32>,
      %mul3A_141 = arith.constant 16 : i32
      %mul3A_142 = arith.muli %scan3A_101, %mul3A_141 : i32
      %add3A_143 = arith.constant 5 : i32
      %add3A_144 = arith.addi %mul3A_142, %add3A_143 : i32
      %mul3A_145 = arith.constant 16 : i32
      %mul3A_146 = arith.muli %add3A_144, %mul3A_145 : i32
      %swap3A_147 = arith.index_cast %mul3A_146 : i32 to index
      %swap3A_148 = tpu.vector_load %arg6[%swap3A_147] {strides = array<i32>} : memref<10240xf32, #tpu.memory_space<vmem>>, vector<16xf32>,
      tpu.vector_store %arg6[%swap3A_147], %broadcast_in_dim3A_59 {strides = array<i32>} : memref<10240xf32, #tpu.memory_space<vmem>>, vector<16xf32>,
      %mul3A_149 = arith.constant 16 : i32
      %mul3A_150 = arith.muli %scan3A_101, %mul3A_149 : i32
      %add3A_151 = arith.constant 6 : i32
      %add3A_152 = arith.addi %mul3A_150, %add3A_151 : i32
      %mul3A_153 = arith.constant 16 : i32
      %mul3A_154 = arith.muli %add3A_152, %mul3A_153 : i32
      %swap3A_155 = arith.index_cast %mul3A_154 : i32 to index
      %swap3A_156 = tpu.vector_load %arg6[%swap3A_155] {strides = array<i32>} : memref<10240xf32, #tpu.memory_space<vmem>>, vector<16xf32>,
      tpu.vector_store %arg6[%swap3A_155], %broadcast_in_dim3A_59 {strides = array<i32>} : memref<10240xf32, #tpu.memory_space<vmem>>, vector<16xf32>,
      %mul3A_157 = arith.constant 16 : i32
      %mul3A_158 = arith.muli %scan3A_101, %mul3A_157 : i32
      %add3A_159 = arith.constant 7 : i32
      %add3A_160 = arith.addi %mul3A_158, %add3A_159 : i32
      %mul3A_161 = arith.constant 16 : i32
      %mul3A_162 = arith.muli %add3A_160, %mul3A_161 : i32
      %swap3A_163 = arith.index_cast %mul3A_162 : i32 to index
      %swap3A_164 = tpu.vector_load %arg6[%swap3A_163] {strides = array<i32>} : memref<10240xf32, #tpu.memory_space<vmem>>, vector<16xf32>,
      tpu.vector_store %arg6[%swap3A_163], %broadcast_in_dim3A_59 {strides = array<i32>} : memref<10240xf32, #tpu.memory_space<vmem>>, vector<16xf32>,
      %mul3A_165 = arith.constant 16 : i32
      %mul3A_166 = arith.muli %scan3A_101, %mul3A_165 : i32
      %add3A_167 = arith.constant 8 : i32
      %add3A_168 = arith.addi %mul3A_166, %add3A_167 : i32
      %mul3A_169 = arith.constant 16 : i32
      %mul3A_170 = arith.muli %add3A_168, %mul3A_169 : i32
      %swap3A_171 = arith.index_cast %mul3A_170 : i32 to index
      %swap3A_172 = tpu.vector_load %arg6[%swap3A_171] {strides = array<i32>} : memref<10240xf32, #tpu.memory_space<vmem>>, vector<16xf32>,
      tpu.vector_store %arg6[%swap3A_171], %broadcast_in_dim3A_59 {strides = array<i32>} : memref<10240xf32, #tpu.memory_space<vmem>>, vector<16xf32>,
      %mul3A_173 = arith.constant 16 : i32
      %mul3A_174 = arith.muli %scan3A_101, %mul3A_173 : i32
      %add3A_175 = arith.constant 9 : i32
      %add3A_176 = arith.addi %mul3A_174, %add3A_175 : i32
      %mul3A_177 = arith.constant 16 : i32
      %mul3A_178 = arith.muli %add3A_176, %mul3A_177 : i32
      %swap3A_179 = arith.index_cast %mul3A_178 : i32 to index
      %swap3A_180 = tpu.vector_load %arg6[%swap3A_179] {strides = array<i32>} : memref<10240xf32, #tpu.memory_space<vmem>>, vector<16xf32>,
      tpu.vector_store %arg6[%swap3A_179], %broadcast_in_dim3A_59 {strides = array<i32>} : memref<10240xf32, #tpu.memory_space<vmem>>, vector<16xf32>,
      %mul3A_181 = arith.constant 16 : i32
      %mul3A_182 = arith.muli %scan3A_101, %mul3A_181 : i32
      %add3A_183 = arith.constant 10 : i32
      %add3A_184 = arith.addi %mul3A_182, %add3A_183 : i32
      %mul3A_185 = arith.constant 16 : i32
      %mul3A_186 = arith.muli %add3A_184, %mul3A_185 : i32
      %swap3A_187 = arith.index_cast %mul3A_186 : i32 to index
      %swap3A_188 = tpu.vector_load %arg6[%swap3A_187] {strides = array<i32>} : memref<10240xf32, #tpu.memory_space<vmem>>, vector<16xf32>,
      tpu.vector_store %arg6[%swap3A_187], %broadcast_in_dim3A_59 {strides = array<i32>} : memref<10240xf32, #tpu.memory_space<vmem>>, vector<16xf32>,
      %mul3A_189 = arith.constant 16 : i32
      %mul3A_190 = arith.muli %scan3A_101, %mul3A_189 : i32
      %add3A_191 = arith.constant 11 : i32
      %add3A_192 = arith.addi %mul3A_190, %add3A_191 : i32
      %mul3A_193 = arith.constant 16 : i32
      %mul3A_194 = arith.muli %add3A_192, %mul3A_193 : i32
      %swap3A_195 = arith.index_cast %mul3A_194 : i32 to index
      %swap3A_196 = tpu.vector_load %arg6[%swap3A_195] {strides = array<i32>} : memref<10240xf32, #tpu.memory_space<vmem>>, vector<16xf32>,
      tpu.vector_store %arg6[%swap3A_195], %broadcast_in_dim3A_59 {strides = array<i32>} : memref<10240xf32, #tpu.memory_space<vmem>>, vector<16xf32>,
      %mul3A_197 = arith.constant 16 : i32
      %mul3A_198 = arith.muli %scan3A_101, %mul3A_197 : i32
      %add3A_199 = arith.constant 12 : i32
      %add3A_200 = arith.addi %mul3A_198, %add3A_199 : i32
      %mul3A_201 = arith.constant 16 : i32
      %mul3A_202 = arith.muli %add3A_200, %mul3A_201 : i32
      %swap3A_203 = arith.index_cast %mul3A_202 : i32 to index
      %swap3A_204 = tpu.vector_load %arg6[%swap3A_203] {strides = array<i32>} : memref<10240xf32, #tpu.memory_space<vmem>>, vector<16xf32>,
      tpu.vector_store %arg6[%swap3A_203], %broadcast_in_dim3A_59 {strides = array<i32>} : memref<10240xf32, #tpu.memory_space<vmem>>, vector<16xf32>,
      %mul3A_205 = arith.constant 16 : i32
      %mul3A_206 = arith.muli %scan3A_101, %mul3A_205 : i32
      %add3A_207 = arith.constant 13 : i32
      %add3A_208 = arith.addi %mul3A_206, %add3A_207 : i32
      %mul3A_209 = arith.constant 16 : i32
      %mul3A_210 = arith.muli %add3A_208, %mul3A_209 : i32
      %swap3A_211 = arith.index_cast %mul3A_210 : i32 to index
      %swap3A_212 = tpu.vector_load %arg6[%swap3A_211] {strides = array<i32>} : memref<10240xf32, #tpu.memory_space<vmem>>, vector<16xf32>,
      tpu.vector_store %arg6[%swap3A_211], %broadcast_in_dim3A_59 {strides = array<i32>} : memref<10240xf32, #tpu.memory_space<vmem>>, vector<16xf32>,
      %mul3A_213 = arith.constant 16 : i32
      %mul3A_214 = arith.muli %scan3A_101, %mul3A_213 : i32
      %add3A_215 = arith.constant 14 : i32
      %add3A_216 = arith.addi %mul3A_214, %add3A_215 : i32
      %mul3A_217 = arith.constant 16 : i32
      %mul3A_218 = arith.muli %add3A_216, %mul3A_217 : i32
      %swap3A_219 = arith.index_cast %mul3A_218 : i32 to index
      %swap3A_220 = tpu.vector_load %arg6[%swap3A_219] {strides = array<i32>} : memref<10240xf32, #tpu.memory_space<vmem>>, vector<16xf32>,
      tpu.vector_store %arg6[%swap3A_219], %broadcast_in_dim3A_59 {strides = array<i32>} : memref<10240xf32, #tpu.memory_space<vmem>>, vector<16xf32>,
      %mul3A_221 = arith.constant 16 : i32
      %mul3A_222 = arith.muli %scan3A_101, %mul3A_221 : i32
      %add3A_223 = arith.constant 15 : i32
      %add3A_224 = arith.addi %mul3A_222, %add3A_223 : i32
      %mul3A_225 = arith.constant 16 : i32
      %mul3A_226 = arith.muli %add3A_224, %mul3A_225 : i32
      %swap3A_227 = arith.index_cast %mul3A_226 : i32 to index
      %swap3A_228 = tpu.vector_load %arg6[%swap3A_227] {strides = array<i32>} : memref<10240xf32, #tpu.memory_space<vmem>>, vector<16xf32>,
      tpu.vector_store %arg6[%swap3A_227], %broadcast_in_dim3A_59 {strides = array<i32>} : memref<10240xf32, #tpu.memory_space<vmem>>, vector<16xf32>,
      %scan3A_229 = arith.constant 0 : i32
      scf.yield %scan3A_229 : i32
    }
    %scan3A_66 = arith.constant 40 : i32
    %mul3A_67 = arith.constant 10240 : i32
    %mul3A_68 = arith.muli %arg0, %mul3A_67 : i32
    %lt3A_69 = arith.constant 15 : i32
    %lt3A_70 = arith.cmpi slt, %arg1, %lt3A_69 : i32
    %eq3A_71 = arith.constant 0 : i32
    %eq3A_72 = arith.cmpi eq, %arg0, %eq3A_71 : i32
    %or3A = arith.ori %lt3A_70, %eq3A_72 : i1
    %jit3A_73 = arith.constant 80 : i32
    %jit3A_74 = arith.constant 20 : i32
    %select_n3A_75 = arith.select %or3A, %jit3A_73, %jit3A_74 : i32
    %while3A_76 = arith.constant 0 : i32
    %while3A_77 = arith.constant 0 : i32
    %while3A_78 = arith.subi %select_n3A_75, %while3A_76 : i32
    %while3A_79 = arith.addi %while3A_76, %while3A_78 : i32
    %while3A_80 = arith.constant 1 : i32
    %while3A_81 = arith.divsi %while3A_78, %while3A_80 : i32
    %while3A_82 = arith.muli %while3A_81, %while3A_80 : i32
    %while3A_83 = arith.addi %while3A_76, %while3A_82 : i32
    %while3A_84 = arith.constant 1 : i32
    %while3A_85 = scf.for %while3A_101 = %while3A_76 to %while3A_83 step %while3A_84 iter_args(%while3A_102 = %while3A_77) -> (i32)  : i32 {
      %mul3A_103 = arith.constant 8 : i32
      %mul3A_104 = arith.muli %while3A_101, %mul3A_103 : i32
      %add3A = arith.constant 0 : i32
      %add3A_105 = arith.addi %mul3A_104, %add3A : i32
      %mul3A_106 = arith.constant 16 : i32
      %mul3A_107 = arith.muli %add3A_105, %mul3A_106 : i32
      %add3A_108 = arith.addi %mul3A_68, %mul3A_107 : i32
      %get3A = arith.index_cast %add3A_108 : i32 to index
      %get3A_109 = tpu.vector_load %arg5[%get3A] {strides = array<i32>} : memref<20480xi32, #tpu.memory_space<vmem>>, vector<16xi32>,
      %mul3A_110 = arith.constant 8 : i32
      %mul3A_111 = arith.muli %while3A_101, %mul3A_110 : i32
      %add3A_112 = arith.constant 1 : i32
      %add3A_113 = arith.addi %mul3A_111, %add3A_112 : i32
      %mul3A_114 = arith.constant 16 : i32
      %mul3A_115 = arith.muli %add3A_113, %mul3A_114 : i32
      %add3A_116 = arith.addi %mul3A_68, %mul3A_115 : i32
      %get3A_117 = arith.index_cast %add3A_116 : i32 to index
      %get3A_118 = tpu.vector_load %arg5[%get3A_117] {strides = array<i32>} : memref<20480xi32, #tpu.memory_space<vmem>>, vector<16xi32>,
      %mul3A_119 = arith.constant 8 : i32
      %mul3A_120 = arith.muli %while3A_101, %mul3A_119 : i32
      %add3A_121 = arith.constant 2 : i32
      %add3A_122 = arith.addi %mul3A_120, %add3A_121 : i32
      %mul3A_123 = arith.constant 16 : i32
      %mul3A_124 = arith.muli %add3A_122, %mul3A_123 : i32
      %add3A_125 = arith.addi %mul3A_68, %mul3A_124 : i32
      %get3A_126 = arith.index_cast %add3A_125 : i32 to index
      %get3A_127 = tpu.vector_load %arg5[%get3A_126] {strides = array<i32>} : memref<20480xi32, #tpu.memory_space<vmem>>, vector<16xi32>,
      %mul3A_128 = arith.constant 8 : i32
      %mul3A_129 = arith.muli %while3A_101, %mul3A_128 : i32
      %add3A_130 = arith.constant 3 : i32
      %add3A_131 = arith.addi %mul3A_129, %add3A_130 : i32
      %mul3A_132 = arith.constant 16 : i32
      %mul3A_133 = arith.muli %add3A_131, %mul3A_132 : i32
      %add3A_134 = arith.addi %mul3A_68, %mul3A_133 : i32
      %get3A_135 = arith.index_cast %add3A_134 : i32 to index
      %get3A_136 = tpu.vector_load %arg5[%get3A_135] {strides = array<i32>} : memref<20480xi32, #tpu.memory_space<vmem>>, vector<16xi32>,
      %mul3A_137 = arith.constant 8 : i32
      %mul3A_138 = arith.muli %while3A_101, %mul3A_137 : i32
      %add3A_139 = arith.constant 4 : i32
      %add3A_140 = arith.addi %mul3A_138, %add3A_139 : i32
      %mul3A_141 = arith.constant 16 : i32
      %mul3A_142 = arith.muli %add3A_140, %mul3A_141 : i32
      %add3A_143 = arith.addi %mul3A_68, %mul3A_142 : i32
      %get3A_144 = arith.index_cast %add3A_143 : i32 to index
      %get3A_145 = tpu.vector_load %arg5[%get3A_144] {strides = array<i32>} : memref<20480xi32, #tpu.memory_space<vmem>>, vector<16xi32>,
      %mul3A_146 = arith.constant 8 : i32
      %mul3A_147 = arith.muli %while3A_101, %mul3A_146 : i32
      %add3A_148 = arith.constant 5 : i32
      %add3A_149 = arith.addi %mul3A_147, %add3A_148 : i32
      %mul3A_150 = arith.constant 16 : i32
      %mul3A_151 = arith.muli %add3A_149, %mul3A_150 : i32
      %add3A_152 = arith.addi %mul3A_68, %mul3A_151 : i32
      %get3A_153 = arith.index_cast %add3A_152 : i32 to index
      %get3A_154 = tpu.vector_load %arg5[%get3A_153] {strides = array<i32>} : memref<20480xi32, #tpu.memory_space<vmem>>, vector<16xi32>,
      %mul3A_155 = arith.constant 8 : i32
      %mul3A_156 = arith.muli %while3A_101, %mul3A_155 : i32
      %add3A_157 = arith.constant 6 : i32
      %add3A_158 = arith.addi %mul3A_156, %add3A_157 : i32
      %mul3A_159 = arith.constant 16 : i32
      %mul3A_160 = arith.muli %add3A_158, %mul3A_159 : i32
      %add3A_161 = arith.addi %mul3A_68, %mul3A_160 : i32
      %get3A_162 = arith.index_cast %add3A_161 : i32 to index
      %get3A_163 = tpu.vector_load %arg5[%get3A_162] {strides = array<i32>} : memref<20480xi32, #tpu.memory_space<vmem>>, vector<16xi32>,
      %mul3A_164 = arith.constant 8 : i32
      %mul3A_165 = arith.muli %while3A_101, %mul3A_164 : i32
      %add3A_166 = arith.constant 7 : i32
      %add3A_167 = arith.addi %mul3A_165, %add3A_166 : i32
      %mul3A_168 = arith.constant 16 : i32
      %mul3A_169 = arith.muli %add3A_167, %mul3A_168 : i32
      %add3A_170 = arith.addi %mul3A_68, %mul3A_169 : i32
      %get3A_171 = arith.index_cast %add3A_170 : i32 to index
      %get3A_172 = tpu.vector_load %arg5[%get3A_171] {strides = array<i32>} : memref<20480xi32, #tpu.memory_space<vmem>>, vector<16xi32>,
      %gather3A = tpu.vector_load_idx %arg9[%get3A_109] : memref<10240xf32, #tpu.memory_space<vmem>>[vector<16xi32>], vector<16xf32>,
      %gather3A_173 = tpu.vector_load_idx %arg9[%get3A_118] : memref<10240xf32, #tpu.memory_space<vmem>>[vector<16xi32>], vector<16xf32>,
      %gather3A_174 = tpu.vector_load_idx %arg9[%get3A_127] : memref<10240xf32, #tpu.memory_space<vmem>>[vector<16xi32>], vector<16xf32>,
      %gather3A_175 = tpu.vector_load_idx %arg9[%get3A_136] : memref<10240xf32, #tpu.memory_space<vmem>>[vector<16xi32>], vector<16xf32>,
      %gather3A_176 = tpu.vector_load_idx %arg9[%get3A_145] : memref<10240xf32, #tpu.memory_space<vmem>>[vector<16xi32>], vector<16xf32>,
      %gather3A_177 = tpu.vector_load_idx %arg9[%get3A_154] : memref<10240xf32, #tpu.memory_space<vmem>>[vector<16xi32>], vector<16xf32>,
      %gather3A_178 = tpu.vector_load_idx %arg9[%get3A_163] : memref<10240xf32, #tpu.memory_space<vmem>>[vector<16xi32>], vector<16xf32>,
      %gather3A_179 = tpu.vector_load_idx %arg9[%get3A_172] : memref<10240xf32, #tpu.memory_space<vmem>>[vector<16xi32>], vector<16xf32>,
      %mul3A_180 = arith.constant 8 : i32
      %mul3A_181 = arith.muli %while3A_101, %mul3A_180 : i32
      %add3A_182 = arith.constant 0 : i32
      %add3A_183 = arith.addi %mul3A_181, %add3A_182 : i32
      %mul3A_184 = arith.constant 16 : i32
      %mul3A_185 = arith.muli %add3A_183, %mul3A_184 : i32
      %add3A_186 = arith.addi %mul3A_68, %mul3A_185 : i32
      %get3A_187 = arith.index_cast %add3A_186 : i32 to index
      %get3A_188 = tpu.vector_load %arg4[%get3A_187] {strides = array<i32>} : memref<20480xi32, #tpu.memory_space<vmem>>, vector<16xi32>,
      %mul3A_189 = arith.constant 8 : i32
      %mul3A_190 = arith.muli %while3A_101, %mul3A_189 : i32
      %add3A_191 = arith.constant 1 : i32
      %add3A_192 = arith.addi %mul3A_190, %add3A_191 : i32
      %mul3A_193 = arith.constant 16 : i32
      %mul3A_194 = arith.muli %add3A_192, %mul3A_193 : i32
      %add3A_195 = arith.addi %mul3A_68, %mul3A_194 : i32
      %get3A_196 = arith.index_cast %add3A_195 : i32 to index
      %get3A_197 = tpu.vector_load %arg4[%get3A_196] {strides = array<i32>} : memref<20480xi32, #tpu.memory_space<vmem>>, vector<16xi32>,
      %mul3A_198 = arith.constant 8 : i32
      %mul3A_199 = arith.muli %while3A_101, %mul3A_198 : i32
      %add3A_200 = arith.constant 2 : i32
      %add3A_201 = arith.addi %mul3A_199, %add3A_200 : i32
      %mul3A_202 = arith.constant 16 : i32
      %mul3A_203 = arith.muli %add3A_201, %mul3A_202 : i32
      %add3A_204 = arith.addi %mul3A_68, %mul3A_203 : i32
      %get3A_205 = arith.index_cast %add3A_204 : i32 to index
      %get3A_206 = tpu.vector_load %arg4[%get3A_205] {strides = array<i32>} : memref<20480xi32, #tpu.memory_space<vmem>>, vector<16xi32>,
      %mul3A_207 = arith.constant 8 : i32
      %mul3A_208 = arith.muli %while3A_101, %mul3A_207 : i32
      %add3A_209 = arith.constant 3 : i32
      %add3A_210 = arith.addi %mul3A_208, %add3A_209 : i32
      %mul3A_211 = arith.constant 16 : i32
      %mul3A_212 = arith.muli %add3A_210, %mul3A_211 : i32
      %add3A_213 = arith.addi %mul3A_68, %mul3A_212 : i32
      %get3A_214 = arith.index_cast %add3A_213 : i32 to index
      %get3A_215 = tpu.vector_load %arg4[%get3A_214] {strides = array<i32>} : memref<20480xi32, #tpu.memory_space<vmem>>, vector<16xi32>,
      %mul3A_216 = arith.constant 8 : i32
      %mul3A_217 = arith.muli %while3A_101, %mul3A_216 : i32
      %add3A_218 = arith.constant 4 : i32
      %add3A_219 = arith.addi %mul3A_217, %add3A_218 : i32
      %mul3A_220 = arith.constant 16 : i32
      %mul3A_221 = arith.muli %add3A_219, %mul3A_220 : i32
      %add3A_222 = arith.addi %mul3A_68, %mul3A_221 : i32
      %get3A_223 = arith.index_cast %add3A_222 : i32 to index
      %get3A_224 = tpu.vector_load %arg4[%get3A_223] {strides = array<i32>} : memref<20480xi32, #tpu.memory_space<vmem>>, vector<16xi32>,
      %mul3A_225 = arith.constant 8 : i32
      %mul3A_226 = arith.muli %while3A_101, %mul3A_225 : i32
      %add3A_227 = arith.constant 5 : i32
      %add3A_228 = arith.addi %mul3A_226, %add3A_227 : i32
      %mul3A_229 = arith.constant 16 : i32
      %mul3A_230 = arith.muli %add3A_228, %mul3A_229 : i32
      %add3A_231 = arith.addi %mul3A_68, %mul3A_230 : i32
      %get3A_232 = arith.index_cast %add3A_231 : i32 to index
      %get3A_233 = tpu.vector_load %arg4[%get3A_232] {strides = array<i32>} : memref<20480xi32, #tpu.memory_space<vmem>>, vector<16xi32>,
      %mul3A_234 = arith.constant 8 : i32
      %mul3A_235 = arith.muli %while3A_101, %mul3A_234 : i32
      %add3A_236 = arith.constant 6 : i32
      %add3A_237 = arith.addi %mul3A_235, %add3A_236 : i32
      %mul3A_238 = arith.constant 16 : i32
      %mul3A_239 = arith.muli %add3A_237, %mul3A_238 : i32
      %add3A_240 = arith.addi %mul3A_68, %mul3A_239 : i32
      %get3A_241 = arith.index_cast %add3A_240 : i32 to index
      %get3A_242 = tpu.vector_load %arg4[%get3A_241] {strides = array<i32>} : memref<20480xi32, #tpu.memory_space<vmem>>, vector<16xi32>,
      %mul3A_243 = arith.constant 8 : i32
      %mul3A_244 = arith.muli %while3A_101, %mul3A_243 : i32
      %add3A_245 = arith.constant 7 : i32
      %add3A_246 = arith.addi %mul3A_244, %add3A_245 : i32
      %mul3A_247 = arith.constant 16 : i32
      %mul3A_248 = arith.muli %add3A_246, %mul3A_247 : i32
      %add3A_249 = arith.addi %mul3A_68, %mul3A_248 : i32
      %get3A_250 = arith.index_cast %add3A_249 : i32 to index
      %get3A_251 = tpu.vector_load %arg4[%get3A_250] {strides = array<i32>} : memref<20480xi32, #tpu.memory_space<vmem>>, vector<16xi32>,
      tpu.vector_store_idx %arg6[%get3A_188], %gather3A {add = true} : memref<10240xf32, #tpu.memory_space<vmem>>[vector<16xi32>], vector<16xf32>,
      tpu.vector_store_idx %arg6[%get3A_197], %gather3A_173 {add = true} : memref<10240xf32, #tpu.memory_space<vmem>>[vector<16xi32>], vector<16xf32>,
      tpu.vector_store_idx %arg6[%get3A_206], %gather3A_174 {add = true} : memref<10240xf32, #tpu.memory_space<vmem>>[vector<16xi32>], vector<16xf32>,
      tpu.vector_store_idx %arg6[%get3A_215], %gather3A_175 {add = true} : memref<10240xf32, #tpu.memory_space<vmem>>[vector<16xi32>], vector<16xf32>,
      tpu.vector_store_idx %arg6[%get3A_224], %gather3A_176 {add = true} : memref<10240xf32, #tpu.memory_space<vmem>>[vector<16xi32>], vector<16xf32>,
      tpu.vector_store_idx %arg6[%get3A_233], %gather3A_177 {add = true} : memref<10240xf32, #tpu.memory_space<vmem>>[vector<16xi32>], vector<16xf32>,
      tpu.vector_store_idx %arg6[%get3A_242], %gather3A_178 {add = true} : memref<10240xf32, #tpu.memory_space<vmem>>[vector<16xi32>], vector<16xf32>,
      tpu.vector_store_idx %arg6[%get3A_251], %gather3A_179 {add = true} : memref<10240xf32, #tpu.memory_space<vmem>>[vector<16xi32>], vector<16xf32>,
      %while3A_252 = arith.constant 0 : i32
      scf.yield %while3A_252 : i32
    }
    %while3A_86 = arith.constant 1 : i32
    %while3A_87 = scf.for %while3A_101 = %while3A_83 to %while3A_79 step %while3A_86 iter_args(%while3A_102 = %while3A_85) -> (i32)  : i32 {
      %mul3A_103 = arith.constant 8 : i32
      %mul3A_104 = arith.muli %while3A_101, %mul3A_103 : i32
      %add3A = arith.constant 0 : i32
      %add3A_105 = arith.addi %mul3A_104, %add3A : i32
      %mul3A_106 = arith.constant 16 : i32
      %mul3A_107 = arith.muli %add3A_105, %mul3A_106 : i32
      %add3A_108 = arith.addi %mul3A_68, %mul3A_107 : i32
      %get3A = arith.index_cast %add3A_108 : i32 to index
      %get3A_109 = tpu.vector_load %arg5[%get3A] {strides = array<i32>} : memref<20480xi32, #tpu.memory_space<vmem>>, vector<16xi32>,
      %mul3A_110 = arith.constant 8 : i32
      %mul3A_111 = arith.muli %while3A_101, %mul3A_110 : i32
      %add3A_112 = arith.constant 1 : i32
      %add3A_113 = arith.addi %mul3A_111, %add3A_112 : i32
      %mul3A_114 = arith.constant 16 : i32
      %mul3A_115 = arith.muli %add3A_113, %mul3A_114 : i32
      %add3A_116 = arith.addi %mul3A_68, %mul3A_115 : i32
      %get3A_117 = arith.index_cast %add3A_116 : i32 to index
      %get3A_118 = tpu.vector_load %arg5[%get3A_117] {strides = array<i32>} : memref<20480xi32, #tpu.memory_space<vmem>>, vector<16xi32>,
      %mul3A_119 = arith.constant 8 : i32
      %mul3A_120 = arith.muli %while3A_101, %mul3A_119 : i32
      %add3A_121 = arith.constant 2 : i32
      %add3A_122 = arith.addi %mul3A_120, %add3A_121 : i32
      %mul3A_123 = arith.constant 16 : i32
      %mul3A_124 = arith.muli %add3A_122, %mul3A_123 : i32
      %add3A_125 = arith.addi %mul3A_68, %mul3A_124 : i32
      %get3A_126 = arith.index_cast %add3A_125 : i32 to index
      %get3A_127 = tpu.vector_load %arg5[%get3A_126] {strides = array<i32>} : memref<20480xi32, #tpu.memory_space<vmem>>, vector<16xi32>,
      %mul3A_128 = arith.constant 8 : i32
      %mul3A_129 = arith.muli %while3A_101, %mul3A_128 : i32
      %add3A_130 = arith.constant 3 : i32
      %add3A_131 = arith.addi %mul3A_129, %add3A_130 : i32
      %mul3A_132 = arith.constant 16 : i32
      %mul3A_133 = arith.muli %add3A_131, %mul3A_132 : i32
      %add3A_134 = arith.addi %mul3A_68, %mul3A_133 : i32
      %get3A_135 = arith.index_cast %add3A_134 : i32 to index
      %get3A_136 = tpu.vector_load %arg5[%get3A_135] {strides = array<i32>} : memref<20480xi32, #tpu.memory_space<vmem>>, vector<16xi32>,
      %mul3A_137 = arith.constant 8 : i32
      %mul3A_138 = arith.muli %while3A_101, %mul3A_137 : i32
      %add3A_139 = arith.constant 4 : i32
      %add3A_140 = arith.addi %mul3A_138, %add3A_139 : i32
      %mul3A_141 = arith.constant 16 : i32
      %mul3A_142 = arith.muli %add3A_140, %mul3A_141 : i32
      %add3A_143 = arith.addi %mul3A_68, %mul3A_142 : i32
      %get3A_144 = arith.index_cast %add3A_143 : i32 to index
      %get3A_145 = tpu.vector_load %arg5[%get3A_144] {strides = array<i32>} : memref<20480xi32, #tpu.memory_space<vmem>>, vector<16xi32>,
      %mul3A_146 = arith.constant 8 : i32
      %mul3A_147 = arith.muli %while3A_101, %mul3A_146 : i32
      %add3A_148 = arith.constant 5 : i32
      %add3A_149 = arith.addi %mul3A_147, %add3A_148 : i32
      %mul3A_150 = arith.constant 16 : i32
      %mul3A_151 = arith.muli %add3A_149, %mul3A_150 : i32
      %add3A_152 = arith.addi %mul3A_68, %mul3A_151 : i32
      %get3A_153 = arith.index_cast %add3A_152 : i32 to index
      %get3A_154 = tpu.vector_load %arg5[%get3A_153] {strides = array<i32>} : memref<20480xi32, #tpu.memory_space<vmem>>, vector<16xi32>,
      %mul3A_155 = arith.constant 8 : i32
      %mul3A_156 = arith.muli %while3A_101, %mul3A_155 : i32
      %add3A_157 = arith.constant 6 : i32
      %add3A_158 = arith.addi %mul3A_156, %add3A_157 : i32
      %mul3A_159 = arith.constant 16 : i32
      %mul3A_160 = arith.muli %add3A_158, %mul3A_159 : i32
      %add3A_161 = arith.addi %mul3A_68, %mul3A_160 : i32
      %get3A_162 = arith.index_cast %add3A_161 : i32 to index
      %get3A_163 = tpu.vector_load %arg5[%get3A_162] {strides = array<i32>} : memref<20480xi32, #tpu.memory_space<vmem>>, vector<16xi32>,
      %mul3A_164 = arith.constant 8 : i32
      %mul3A_165 = arith.muli %while3A_101, %mul3A_164 : i32
      %add3A_166 = arith.constant 7 : i32
      %add3A_167 = arith.addi %mul3A_165, %add3A_166 : i32
      %mul3A_168 = arith.constant 16 : i32
      %mul3A_169 = arith.muli %add3A_167, %mul3A_168 : i32
      %add3A_170 = arith.addi %mul3A_68, %mul3A_169 : i32
      %get3A_171 = arith.index_cast %add3A_170 : i32 to index
      %get3A_172 = tpu.vector_load %arg5[%get3A_171] {strides = array<i32>} : memref<20480xi32, #tpu.memory_space<vmem>>, vector<16xi32>,
      %gather3A = tpu.vector_load_idx %arg9[%get3A_109] : memref<10240xf32, #tpu.memory_space<vmem>>[vector<16xi32>], vector<16xf32>,
      %gather3A_173 = tpu.vector_load_idx %arg9[%get3A_118] : memref<10240xf32, #tpu.memory_space<vmem>>[vector<16xi32>], vector<16xf32>,
      %gather3A_174 = tpu.vector_load_idx %arg9[%get3A_127] : memref<10240xf32, #tpu.memory_space<vmem>>[vector<16xi32>], vector<16xf32>,
      %gather3A_175 = tpu.vector_load_idx %arg9[%get3A_136] : memref<10240xf32, #tpu.memory_space<vmem>>[vector<16xi32>], vector<16xf32>,
      %gather3A_176 = tpu.vector_load_idx %arg9[%get3A_145] : memref<10240xf32, #tpu.memory_space<vmem>>[vector<16xi32>], vector<16xf32>,
      %gather3A_177 = tpu.vector_load_idx %arg9[%get3A_154] : memref<10240xf32, #tpu.memory_space<vmem>>[vector<16xi32>], vector<16xf32>,
      %gather3A_178 = tpu.vector_load_idx %arg9[%get3A_163] : memref<10240xf32, #tpu.memory_space<vmem>>[vector<16xi32>], vector<16xf32>,
      %gather3A_179 = tpu.vector_load_idx %arg9[%get3A_172] : memref<10240xf32, #tpu.memory_space<vmem>>[vector<16xi32>], vector<16xf32>,
      %mul3A_180 = arith.constant 8 : i32
      %mul3A_181 = arith.muli %while3A_101, %mul3A_180 : i32
      %add3A_182 = arith.constant 0 : i32
      %add3A_183 = arith.addi %mul3A_181, %add3A_182 : i32
      %mul3A_184 = arith.constant 16 : i32
      %mul3A_185 = arith.muli %add3A_183, %mul3A_184 : i32
      %add3A_186 = arith.addi %mul3A_68, %mul3A_185 : i32
      %get3A_187 = arith.index_cast %add3A_186 : i32 to index
      %get3A_188 = tpu.vector_load %arg4[%get3A_187] {strides = array<i32>} : memref<20480xi32, #tpu.memory_space<vmem>>, vector<16xi32>,
      %mul3A_189 = arith.constant 8 : i32
      %mul3A_190 = arith.muli %while3A_101, %mul3A_189 : i32
      %add3A_191 = arith.constant 1 : i32
      %add3A_192 = arith.addi %mul3A_190, %add3A_191 : i32
      %mul3A_193 = arith.constant 16 : i32
      %mul3A_194 = arith.muli %add3A_192, %mul3A_193 : i32
      %add3A_195 = arith.addi %mul3A_68, %mul3A_194 : i32
      %get3A_196 = arith.index_cast %add3A_195 : i32 to index
      %get3A_197 = tpu.vector_load %arg4[%get3A_196] {strides = array<i32>} : memref<20480xi32, #tpu.memory_space<vmem>>, vector<16xi32>,
      %mul3A_198 = arith.constant 8 : i32
      %mul3A_199 = arith.muli %while3A_101, %mul3A_198 : i32
      %add3A_200 = arith.constant 2 : i32
      %add3A_201 = arith.addi %mul3A_199, %add3A_200 : i32
      %mul3A_202 = arith.constant 16 : i32
      %mul3A_203 = arith.muli %add3A_201, %mul3A_202 : i32
      %add3A_204 = arith.addi %mul3A_68, %mul3A_203 : i32
      %get3A_205 = arith.index_cast %add3A_204 : i32 to index
      %get3A_206 = tpu.vector_load %arg4[%get3A_205] {strides = array<i32>} : memref<20480xi32, #tpu.memory_space<vmem>>, vector<16xi32>,
      %mul3A_207 = arith.constant 8 : i32
      %mul3A_208 = arith.muli %while3A_101, %mul3A_207 : i32
      %add3A_209 = arith.constant 3 : i32
      %add3A_210 = arith.addi %mul3A_208, %add3A_209 : i32
      %mul3A_211 = arith.constant 16 : i32
      %mul3A_212 = arith.muli %add3A_210, %mul3A_211 : i32
      %add3A_213 = arith.addi %mul3A_68, %mul3A_212 : i32
      %get3A_214 = arith.index_cast %add3A_213 : i32 to index
      %get3A_215 = tpu.vector_load %arg4[%get3A_214] {strides = array<i32>} : memref<20480xi32, #tpu.memory_space<vmem>>, vector<16xi32>,
      %mul3A_216 = arith.constant 8 : i32
      %mul3A_217 = arith.muli %while3A_101, %mul3A_216 : i32
      %add3A_218 = arith.constant 4 : i32
      %add3A_219 = arith.addi %mul3A_217, %add3A_218 : i32
      %mul3A_220 = arith.constant 16 : i32
      %mul3A_221 = arith.muli %add3A_219, %mul3A_220 : i32
      %add3A_222 = arith.addi %mul3A_68, %mul3A_221 : i32
      %get3A_223 = arith.index_cast %add3A_222 : i32 to index
      %get3A_224 = tpu.vector_load %arg4[%get3A_223] {strides = array<i32>} : memref<20480xi32, #tpu.memory_space<vmem>>, vector<16xi32>,
      %mul3A_225 = arith.constant 8 : i32
      %mul3A_226 = arith.muli %while3A_101, %mul3A_225 : i32
      %add3A_227 = arith.constant 5 : i32
      %add3A_228 = arith.addi %mul3A_226, %add3A_227 : i32
      %mul3A_229 = arith.constant 16 : i32
      %mul3A_230 = arith.muli %add3A_228, %mul3A_229 : i32
      %add3A_231 = arith.addi %mul3A_68, %mul3A_230 : i32
      %get3A_232 = arith.index_cast %add3A_231 : i32 to index
      %get3A_233 = tpu.vector_load %arg4[%get3A_232] {strides = array<i32>} : memref<20480xi32, #tpu.memory_space<vmem>>, vector<16xi32>,
      %mul3A_234 = arith.constant 8 : i32
      %mul3A_235 = arith.muli %while3A_101, %mul3A_234 : i32
      %add3A_236 = arith.constant 6 : i32
      %add3A_237 = arith.addi %mul3A_235, %add3A_236 : i32
      %mul3A_238 = arith.constant 16 : i32
      %mul3A_239 = arith.muli %add3A_237, %mul3A_238 : i32
      %add3A_240 = arith.addi %mul3A_68, %mul3A_239 : i32
      %get3A_241 = arith.index_cast %add3A_240 : i32 to index
      %get3A_242 = tpu.vector_load %arg4[%get3A_241] {strides = array<i32>} : memref<20480xi32, #tpu.memory_space<vmem>>, vector<16xi32>,
      %mul3A_243 = arith.constant 8 : i32
      %mul3A_244 = arith.muli %while3A_101, %mul3A_243 : i32
      %add3A_245 = arith.constant 7 : i32
      %add3A_246 = arith.addi %mul3A_244, %add3A_245 : i32
      %mul3A_247 = arith.constant 16 : i32
      %mul3A_248 = arith.muli %add3A_246, %mul3A_247 : i32
      %add3A_249 = arith.addi %mul3A_68, %mul3A_248 : i32
      %get3A_250 = arith.index_cast %add3A_249 : i32 to index
      %get3A_251 = tpu.vector_load %arg4[%get3A_250] {strides = array<i32>} : memref<20480xi32, #tpu.memory_space<vmem>>, vector<16xi32>,
      tpu.vector_store_idx %arg6[%get3A_188], %gather3A {add = true} : memref<10240xf32, #tpu.memory_space<vmem>>[vector<16xi32>], vector<16xf32>,
      tpu.vector_store_idx %arg6[%get3A_197], %gather3A_173 {add = true} : memref<10240xf32, #tpu.memory_space<vmem>>[vector<16xi32>], vector<16xf32>,
      tpu.vector_store_idx %arg6[%get3A_206], %gather3A_174 {add = true} : memref<10240xf32, #tpu.memory_space<vmem>>[vector<16xi32>], vector<16xf32>,
      tpu.vector_store_idx %arg6[%get3A_215], %gather3A_175 {add = true} : memref<10240xf32, #tpu.memory_space<vmem>>[vector<16xi32>], vector<16xf32>,
      tpu.vector_store_idx %arg6[%get3A_224], %gather3A_176 {add = true} : memref<10240xf32, #tpu.memory_space<vmem>>[vector<16xi32>], vector<16xf32>,
      tpu.vector_store_idx %arg6[%get3A_233], %gather3A_177 {add = true} : memref<10240xf32, #tpu.memory_space<vmem>>[vector<16xi32>], vector<16xf32>,
      tpu.vector_store_idx %arg6[%get3A_242], %gather3A_178 {add = true} : memref<10240xf32, #tpu.memory_space<vmem>>[vector<16xi32>], vector<16xf32>,
      tpu.vector_store_idx %arg6[%get3A_251], %gather3A_179 {add = true} : memref<10240xf32, #tpu.memory_space<vmem>>[vector<16xi32>], vector<16xf32>,
      %while3A_252 = arith.constant 0 : i32
      scf.yield %while3A_252 : i32
    }
    "tpu.region"() ({
      %run_scoped3A = tpu.sem_alloc : memref<!tpu.dma_semaphore, #tpu.memory_space<semaphore_mem>>
      %dma_start3A = arith.constant 0 : i32
      %dma_start3A_101 = tpu.memref_slice %arg12[%arg1, %dma_start3A] : memref<16x10240xf32, #tpu.memory_space<vmem_shared>> -> memref<1x10240xf32, #tpu.memory_space<vmem_shared>>
      %dma_start3A_102 = tpu.memref_squeeze %dma_start3A_101 : memref<1x10240xf32, #tpu.memory_space<vmem_shared>> -> memref<10240xf32, #tpu.memory_space<vmem_shared>>
      %dma_start3A_103 = arith.constant 0 : i32
      %dma_start3A_104 = tpu.memref_slice %arg12[%arg1, %dma_start3A_103] : memref<16x10240xf32, #tpu.memory_space<vmem_shared>> -> memref<1x10240xf32, #tpu.memory_space<vmem_shared>>
      %dma_start3A_105 = tpu.memref_squeeze %dma_start3A_104 : memref<1x10240xf32, #tpu.memory_space<vmem_shared>> -> memref<10240xf32, #tpu.memory_space<vmem_shared>>
      tpu.enqueue_dma source(%arg6 : memref<10240xf32, #tpu.memory_space<vmem>>) target(%dma_start3A_105 : memref<10240xf32, #tpu.memory_space<vmem_shared>>) target_semaphore(%run_scoped3A : memref<!tpu.dma_semaphore, #tpu.memory_space<semaphore_mem>>)
      %dma_wait3A = arith.constant 0 : i32
      %dma_wait3A_106 = tpu.memref_slice %arg12[%arg1, %dma_wait3A] : memref<16x10240xf32, #tpu.memory_space<vmem_shared>> -> memref<1x10240xf32, #tpu.memory_space<vmem_shared>>
      %dma_wait3A_107 = tpu.memref_squeeze %dma_wait3A_106 : memref<1x10240xf32, #tpu.memory_space<vmem_shared>> -> memref<10240xf32, #tpu.memory_space<vmem_shared>>
      %dma_wait3A_108 = arith.constant 0 : i32
      %dma_wait3A_109 = tpu.memref_slice %arg12[%arg1, %dma_wait3A_108] : memref<16x10240xf32, #tpu.memory_space<vmem_shared>> -> memref<1x10240xf32, #tpu.memory_space<vmem_shared>>
      %dma_wait3A_110 = tpu.memref_squeeze %dma_wait3A_109 : memref<1x10240xf32, #tpu.memory_space<vmem_shared>> -> memref<10240xf32, #tpu.memory_space<vmem_shared>>
      tpu.wait_dma2 semaphore(%run_scoped3A : memref<!tpu.dma_semaphore, #tpu.memory_space<semaphore_mem>>) src(%arg6 : memref<10240xf32, #tpu.memory_space<vmem>>) dst(%dma_wait3A_110 : memref<10240xf32, #tpu.memory_space<vmem_shared>>)
      tpu.yield
    }) : () -> ()
    %barrier3A_88 = arith.constant 0 : index
    tpu.barrier barrier_id(%barrier3A_88)
    %mul3A_89 = arith.constant 640 : i32
    %mul3A_90 = arith.muli %arg1, %mul3A_89 : i32
    "tpu.region"() ({
      %run_scoped3A = tpu.sem_alloc : memref<!tpu.dma_semaphore, #tpu.memory_space<semaphore_mem>>
      %dma_start3A = arith.constant 0 : i32
      %dma_start3A_101 = tpu.memref_slice %arg12[%dma_start3A, %mul3A_90] : memref<16x10240xf32, #tpu.memory_space<vmem_shared>> -> memref<16x640xf32, #tpu.memory_space<vmem_shared>>
      %dma_start3A_102 = arith.constant 0 : i32
      %dma_start3A_103 = tpu.memref_slice %arg12[%dma_start3A_102, %mul3A_90] : memref<16x10240xf32, #tpu.memory_space<vmem_shared>> -> memref<16x640xf32, #tpu.memory_space<vmem_shared>>
      tpu.enqueue_dma source(%dma_start3A_103 : memref<16x640xf32, #tpu.memory_space<vmem_shared>>) target(%arg8 : memref<16x640xf32, #tpu.memory_space<vmem>>) target_semaphore(%run_scoped3A : memref<!tpu.dma_semaphore, #tpu.memory_space<semaphore_mem>>)
      %dma_wait3A = arith.constant 0 : i32
      %dma_wait3A_104 = tpu.memref_slice %arg12[%dma_wait3A, %mul3A_90] : memref<16x10240xf32, #tpu.memory_space<vmem_shared>> -> memref<16x640xf32, #tpu.memory_space<vmem_shared>>
      %dma_wait3A_105 = arith.constant 0 : i32
      %dma_wait3A_106 = tpu.memref_slice %arg12[%dma_wait3A_105, %mul3A_90] : memref<16x10240xf32, #tpu.memory_space<vmem_shared>> -> memref<16x640xf32, #tpu.memory_space<vmem_shared>>
      tpu.wait_dma2 semaphore(%run_scoped3A : memref<!tpu.dma_semaphore, #tpu.memory_space<semaphore_mem>>) src(%dma_wait3A_106 : memref<16x640xf32, #tpu.memory_space<vmem_shared>>) dst(%arg8 : memref<16x640xf32, #tpu.memory_space<vmem>>)
      tpu.yield
    }) : () -> ()
    %scan3A_91 = arith.constant 9.99999974E-5 : f32
    %scan3A_92 = arith.constant 0 : i32
    %scan3A_93 = arith.constant 0 : i32
    %scan3A_94 = arith.constant 40 : i32
    %scan3A_95 = arith.addi %scan3A_93, %scan3A_94 : i32
    %scan3A_96 = arith.constant 1 : i32
    %scan3A_97 = scf.for %scan3A_101 = %scan3A_93 to %scan3A_95 step %scan3A_96 iter_args(%scan3A_102 = %scan3A_92) -> (i32)  : i32 {
      %mul3A_103 = arith.constant 16 : i32
      %mul3A_104 = arith.muli %scan3A_101, %mul3A_103 : i32
      %get3A = arith.constant 0 : i32
      %get3A_105 = arith.index_cast %get3A : i32 to index
      %get3A_106 = arith.index_cast %mul3A_104 : i32 to index
      %get3A_107 = tpu.vector_load %arg8[%get3A_105, %get3A_106] {strides = array<i32>} : memref<16x640xf32, #tpu.memory_space<vmem>>, vector<16xf32>,
      %mul3A_108 = arith.constant 16 : i32
      %mul3A_109 = arith.muli %scan3A_101, %mul3A_108 : i32
      %get3A_110 = arith.constant 1 : i32
      %get3A_111 = arith.index_cast %get3A_110 : i32 to index
      %get3A_112 = arith.index_cast %mul3A_109 : i32 to index
      %get3A_113 = tpu.vector_load %arg8[%get3A_111, %get3A_112] {strides = array<i32>} : memref<16x640xf32, #tpu.memory_space<vmem>>, vector<16xf32>,
      %mul3A_114 = arith.constant 16 : i32
      %mul3A_115 = arith.muli %scan3A_101, %mul3A_114 : i32
      %get3A_116 = arith.constant 2 : i32
      %get3A_117 = arith.index_cast %get3A_116 : i32 to index
      %get3A_118 = arith.index_cast %mul3A_115 : i32 to index
      %get3A_119 = tpu.vector_load %arg8[%get3A_117, %get3A_118] {strides = array<i32>} : memref<16x640xf32, #tpu.memory_space<vmem>>, vector<16xf32>,
      %mul3A_120 = arith.constant 16 : i32
      %mul3A_121 = arith.muli %scan3A_101, %mul3A_120 : i32
      %get3A_122 = arith.constant 3 : i32
      %get3A_123 = arith.index_cast %get3A_122 : i32 to index
      %get3A_124 = arith.index_cast %mul3A_121 : i32 to index
      %get3A_125 = tpu.vector_load %arg8[%get3A_123, %get3A_124] {strides = array<i32>} : memref<16x640xf32, #tpu.memory_space<vmem>>, vector<16xf32>,
      %mul3A_126 = arith.constant 16 : i32
      %mul3A_127 = arith.muli %scan3A_101, %mul3A_126 : i32
      %get3A_128 = arith.constant 4 : i32
      %get3A_129 = arith.index_cast %get3A_128 : i32 to index
      %get3A_130 = arith.index_cast %mul3A_127 : i32 to index
      %get3A_131 = tpu.vector_load %arg8[%get3A_129, %get3A_130] {strides = array<i32>} : memref<16x640xf32, #tpu.memory_space<vmem>>, vector<16xf32>,
      %mul3A_132 = arith.constant 16 : i32
      %mul3A_133 = arith.muli %scan3A_101, %mul3A_132 : i32
      %get3A_134 = arith.constant 5 : i32
      %get3A_135 = arith.index_cast %get3A_134 : i32 to index
      %get3A_136 = arith.index_cast %mul3A_133 : i32 to index
      %get3A_137 = tpu.vector_load %arg8[%get3A_135, %get3A_136] {strides = array<i32>} : memref<16x640xf32, #tpu.memory_space<vmem>>, vector<16xf32>,
      %mul3A_138 = arith.constant 16 : i32
      %mul3A_139 = arith.muli %scan3A_101, %mul3A_138 : i32
      %get3A_140 = arith.constant 6 : i32
      %get3A_141 = arith.index_cast %get3A_140 : i32 to index
      %get3A_142 = arith.index_cast %mul3A_139 : i32 to index
      %get3A_143 = tpu.vector_load %arg8[%get3A_141, %get3A_142] {strides = array<i32>} : memref<16x640xf32, #tpu.memory_space<vmem>>, vector<16xf32>,
      %mul3A_144 = arith.constant 16 : i32
      %mul3A_145 = arith.muli %scan3A_101, %mul3A_144 : i32
      %get3A_146 = arith.constant 7 : i32
      %get3A_147 = arith.index_cast %get3A_146 : i32 to index
      %get3A_148 = arith.index_cast %mul3A_145 : i32 to index
      %get3A_149 = tpu.vector_load %arg8[%get3A_147, %get3A_148] {strides = array<i32>} : memref<16x640xf32, #tpu.memory_space<vmem>>, vector<16xf32>,
      %mul3A_150 = arith.constant 16 : i32
      %mul3A_151 = arith.muli %scan3A_101, %mul3A_150 : i32
      %get3A_152 = arith.constant 8 : i32
      %get3A_153 = arith.index_cast %get3A_152 : i32 to index
      %get3A_154 = arith.index_cast %mul3A_151 : i32 to index
      %get3A_155 = tpu.vector_load %arg8[%get3A_153, %get3A_154] {strides = array<i32>} : memref<16x640xf32, #tpu.memory_space<vmem>>, vector<16xf32>,
      %mul3A_156 = arith.constant 16 : i32
      %mul3A_157 = arith.muli %scan3A_101, %mul3A_156 : i32
      %get3A_158 = arith.constant 9 : i32
      %get3A_159 = arith.index_cast %get3A_158 : i32 to index
      %get3A_160 = arith.index_cast %mul3A_157 : i32 to index
      %get3A_161 = tpu.vector_load %arg8[%get3A_159, %get3A_160] {strides = array<i32>} : memref<16x640xf32, #tpu.memory_space<vmem>>, vector<16xf32>,
      %mul3A_162 = arith.constant 16 : i32
      %mul3A_163 = arith.muli %scan3A_101, %mul3A_162 : i32
      %get3A_164 = arith.constant 10 : i32
      %get3A_165 = arith.index_cast %get3A_164 : i32 to index
      %get3A_166 = arith.index_cast %mul3A_163 : i32 to index
      %get3A_167 = tpu.vector_load %arg8[%get3A_165, %get3A_166] {strides = array<i32>} : memref<16x640xf32, #tpu.memory_space<vmem>>, vector<16xf32>,
      %mul3A_168 = arith.constant 16 : i32
      %mul3A_169 = arith.muli %scan3A_101, %mul3A_168 : i32
      %get3A_170 = arith.constant 11 : i32
      %get3A_171 = arith.index_cast %get3A_170 : i32 to index
      %get3A_172 = arith.index_cast %mul3A_169 : i32 to index
      %get3A_173 = tpu.vector_load %arg8[%get3A_171, %get3A_172] {strides = array<i32>} : memref<16x640xf32, #tpu.memory_space<vmem>>, vector<16xf32>,
      %mul3A_174 = arith.constant 16 : i32
      %mul3A_175 = arith.muli %scan3A_101, %mul3A_174 : i32
      %get3A_176 = arith.constant 12 : i32
      %get3A_177 = arith.index_cast %get3A_176 : i32 to index
      %get3A_178 = arith.index_cast %mul3A_175 : i32 to index
      %get3A_179 = tpu.vector_load %arg8[%get3A_177, %get3A_178] {strides = array<i32>} : memref<16x640xf32, #tpu.memory_space<vmem>>, vector<16xf32>,
      %mul3A_180 = arith.constant 16 : i32
      %mul3A_181 = arith.muli %scan3A_101, %mul3A_180 : i32
      %get3A_182 = arith.constant 13 : i32
      %get3A_183 = arith.index_cast %get3A_182 : i32 to index
      %get3A_184 = arith.index_cast %mul3A_181 : i32 to index
      %get3A_185 = tpu.vector_load %arg8[%get3A_183, %get3A_184] {strides = array<i32>} : memref<16x640xf32, #tpu.memory_space<vmem>>, vector<16xf32>,
      %mul3A_186 = arith.constant 16 : i32
      %mul3A_187 = arith.muli %scan3A_101, %mul3A_186 : i32
      %get3A_188 = arith.constant 14 : i32
      %get3A_189 = arith.index_cast %get3A_188 : i32 to index
      %get3A_190 = arith.index_cast %mul3A_187 : i32 to index
      %get3A_191 = tpu.vector_load %arg8[%get3A_189, %get3A_190] {strides = array<i32>} : memref<16x640xf32, #tpu.memory_space<vmem>>, vector<16xf32>,
      %mul3A_192 = arith.constant 16 : i32
      %mul3A_193 = arith.muli %scan3A_101, %mul3A_192 : i32
      %get3A_194 = arith.constant 15 : i32
      %get3A_195 = arith.index_cast %get3A_194 : i32 to index
      %get3A_196 = arith.index_cast %mul3A_193 : i32 to index
      %get3A_197 = tpu.vector_load %arg8[%get3A_195, %get3A_196] {strides = array<i32>} : memref<16x640xf32, #tpu.memory_space<vmem>>, vector<16xf32>,
      %add3A = arith.addf %get3A_107, %get3A_113 : vector<16xf32>
      %add3A_198 = arith.addf %get3A_119, %get3A_125 : vector<16xf32>
      %add3A_199 = arith.addf %get3A_131, %get3A_137 : vector<16xf32>
      %add3A_200 = arith.addf %get3A_143, %get3A_149 : vector<16xf32>
      %add3A_201 = arith.addf %get3A_155, %get3A_161 : vector<16xf32>
      %add3A_202 = arith.addf %get3A_167, %get3A_173 : vector<16xf32>
      %add3A_203 = arith.addf %get3A_179, %get3A_185 : vector<16xf32>
      %add3A_204 = arith.addf %get3A_191, %get3A_197 : vector<16xf32>
      %add3A_205 = arith.addf %add3A, %add3A_198 : vector<16xf32>
      %add3A_206 = arith.addf %add3A_199, %add3A_200 : vector<16xf32>
      %add3A_207 = arith.addf %add3A_201, %add3A_202 : vector<16xf32>
      %add3A_208 = arith.addf %add3A_203, %add3A_204 : vector<16xf32>
      %add3A_209 = arith.addf %add3A_205, %add3A_206 : vector<16xf32>
      %add3A_210 = arith.addf %add3A_207, %add3A_208 : vector<16xf32>
      %add3A_211 = arith.addf %add3A_209, %add3A_210 : vector<16xf32>
      %mul3A_212 = arith.constant 16 : i32
      %mul3A_213 = arith.muli %scan3A_101, %mul3A_212 : i32
      %get3A_214 = arith.index_cast %mul3A_213 : i32 to index
      %get3A_215 = tpu.vector_load %arg10[%get3A_214] {strides = array<i32>} : memref<640xf32, #tpu.memory_space<vmem>>, vector<16xf32>,
      %mul3A_216 = arith.mulf %add3A_211, %get3A_215 : vector<16xf32>
      %mul3A_217 = vector.broadcast %scan3A_91 : f32 to vector<16xf32>
      %mul3A_218 = arith.mulf %mul3A_216, %mul3A_217 : vector<16xf32>
      %mul3A_219 = arith.constant 16 : i32
      %mul3A_220 = arith.muli %scan3A_101, %mul3A_219 : i32
      %swap3A = arith.index_cast %mul3A_220 : i32 to index
      %swap3A_221 = tpu.vector_load %arg11[%swap3A] {strides = array<i32>} : memref<640xf32, #tpu.memory_space<vmem>>, vector<16xf32>,
      tpu.vector_store %arg11[%swap3A], %mul3A_218 {strides = array<i32>} : memref<640xf32, #tpu.memory_space<vmem>>, vector<16xf32>,
      %scan3A_222 = arith.constant 0 : i32
      scf.yield %scan3A_222 : i32
    }
    %scan3A_98 = arith.constant 40 : i32
    %mul3A_99 = arith.constant 640 : i32
    %mul3A_100 = arith.muli %arg1, %mul3A_99 : i32
    "tpu.region"() ({
      %run_scoped3A = tpu.sem_alloc : memref<!tpu.dma_semaphore, #tpu.memory_space<semaphore_mem>>
      %dma_start3A = tpu.memref_slice %arg3[%arg0, %mul3A_100] : memref<2x10240xf32, #tpu.memory_space<hbm>> -> memref<1x640xf32, #tpu.memory_space<hbm>>
      %dma_start3A_101 = tpu.memref_squeeze %dma_start3A : memref<1x640xf32, #tpu.memory_space<hbm>> -> memref<640xf32, #tpu.memory_space<hbm>>
      %dma_start3A_102 = tpu.memref_slice %arg3[%arg0, %mul3A_100] : memref<2x10240xf32, #tpu.memory_space<hbm>> -> memref<1x640xf32, #tpu.memory_space<hbm>>
      %dma_start3A_103 = tpu.memref_squeeze %dma_start3A_102 : memref<1x640xf32, #tpu.memory_space<hbm>> -> memref<640xf32, #tpu.memory_space<hbm>>
      tpu.enqueue_dma source(%arg11 : memref<640xf32, #tpu.memory_space<vmem>>) target(%dma_start3A_103 : memref<640xf32, #tpu.memory_space<hbm>>) target_semaphore(%run_scoped3A : memref<!tpu.dma_semaphore, #tpu.memory_space<semaphore_mem>>)
      %dma_wait3A = tpu.memref_slice %arg3[%arg0, %mul3A_100] : memref<2x10240xf32, #tpu.memory_space<hbm>> -> memref<1x640xf32, #tpu.memory_space<hbm>>
      %dma_wait3A_104 = tpu.memref_squeeze %dma_wait3A : memref<1x640xf32, #tpu.memory_space<hbm>> -> memref<640xf32, #tpu.memory_space<hbm>>
      %dma_wait3A_105 = tpu.memref_slice %arg3[%arg0, %mul3A_100] : memref<2x10240xf32, #tpu.memory_space<hbm>> -> memref<1x640xf32, #tpu.memory_space<hbm>>
      %dma_wait3A_106 = tpu.memref_squeeze %dma_wait3A_105 : memref<1x640xf32, #tpu.memory_space<hbm>> -> memref<640xf32, #tpu.memory_space<hbm>>
      tpu.wait_dma2 semaphore(%run_scoped3A : memref<!tpu.dma_semaphore, #tpu.memory_space<semaphore_mem>>) src(%arg11 : memref<640xf32, #tpu.memory_space<vmem>>) dst(%dma_wait3A_106 : memref<640xf32, #tpu.memory_space<hbm>>)
      tpu.yield
    }) : () -> ()
    return
  }
}

module attributes {stable_mosaic.version = 14 : i64} {
  func.func @_final_body(%arg0: i32, %arg1: memref<2x1000x1xf32, #tpu.memory_space<vmem>>, %arg2: memref<1000x128xf32, #tpu.memory_space<vmem>>, %arg3: memref<128x128xf32, #tpu.memory_space<vmem>>, %arg4: memref<1x128xf32, #tpu.memory_space<vmem>>, %arg5: memref<1x128xf32, #tpu.memory_space<vmem>>) attributes {dimension_semantics = [#tpu.dimension_semantics<arbitrary>], iteration_bounds = array<i64: 10>, scalar_prefetch = 0 : i64, scratch_operands = 0 : i64, tpu.core_type = #tpu.core_type<tc>, window_params = [{transform_indices = @transform_0, window_bounds = array<i64: 2, 1000, 1>}, {transform_indices = @transform_1, window_bounds = array<i64: 1000, 128>}, {pipeline_mode = #tpu.pipeline_mode<synchronous>, transform_indices = @transform_2, window_bounds = array<i64: 128, 128>}, {pipeline_mode = #tpu.pipeline_mode<synchronous>, transform_indices = @transform_3, window_bounds = array<i64: 1, 128>}, {pipeline_mode = #tpu.pipeline_mode<synchronous>, transform_indices = @transform_4, window_bounds = array<i64: 1, 128>}]} {
    %get3A = arith.constant 0 : index
    %get3A_0 = arith.constant 0 : index
    %get3A_1 = arith.constant 0 : index
    %get3A_2 = vector.load %arg1[%get3A, %get3A_0, %get3A_1] : memref<2x1000x1xf32, #tpu.memory_space<vmem>>, vector<1x1000x1xf32>
    %get3A_3 = vector.shape_cast %get3A_2 : vector<1x1000x1xf32> to vector<1000x1xf32>
    %get3A_4 = arith.constant 1 : index
    %get3A_5 = arith.constant 0 : index
    %get3A_6 = arith.constant 0 : index
    %get3A_7 = vector.load %arg1[%get3A_4, %get3A_5, %get3A_6] : memref<2x1000x1xf32, #tpu.memory_space<vmem>>, vector<1x1000x1xf32>
    %get3A_8 = vector.shape_cast %get3A_7 : vector<1x1000x1xf32> to vector<1000x1xf32>
    %add3A = arith.addf %get3A_3, %get3A_8 : vector<1000x1xf32>
    %get3A_9 = arith.constant 0 : index
    %get3A_10 = arith.constant 0 : index
    %get3A_11 = vector.load %arg2[%get3A_9, %get3A_10] : memref<1000x128xf32, #tpu.memory_space<vmem>>, vector<1000x128xf32>
    %mul3A = vector.broadcast %add3A : vector<1000x1xf32> to vector<1000x128xf32>
    %mul3A_12 = arith.mulf %get3A_11, %mul3A : vector<1000x128xf32>
    %reduce_sum3A = arith.constant dense<0.000000e+00> : vector<128xf32>
    %reduce_sum3A_13 = vector.multi_reduction <add>, %mul3A_12, %reduce_sum3A [0] : vector<1000x128xf32> to vector<128xf32>
    %broadcast_in_dim3A = vector.shape_cast %reduce_sum3A_13 : vector<128xf32> to vector<1x128xf32>
    %eq3A = arith.constant 0 : i32
    %eq3A_14 = arith.cmpi eq, %arg0, %eq3A : i32
    %convert_element_type3A = arith.extui %eq3A_14 : i1 to i32
    %cond3A = arith.constant 0 : i32
    %cond3A_15 = arith.cmpi ne, %convert_element_type3A, %cond3A : i32
    scf.if %cond3A_15 {
      %broadcast_in_dim3A_27 = arith.constant 0.000000e+00 : f32
      %broadcast_in_dim3A_28 = vector.broadcast %broadcast_in_dim3A_27 : f32 to vector<1x128xf32>
      %swap3A_29 = arith.constant 0 : index
      %swap3A_30 = arith.constant 0 : index
      %swap3A_31 = vector.load %arg5[%swap3A_29, %swap3A_30] : memref<1x128xf32, #tpu.memory_space<vmem>>, vector<1x128xf32>
      tpu.vector_store %arg5[%swap3A_29, %swap3A_30], %broadcast_in_dim3A_28 {strides = array<i32>} : memref<1x128xf32, #tpu.memory_space<vmem>>, vector<1x128xf32>,
    } else {
    }
    %get3A_16 = arith.constant 0 : index
    %get3A_17 = arith.constant 0 : index
    %get3A_18 = vector.load %arg5[%get3A_16, %get3A_17] : memref<1x128xf32, #tpu.memory_space<vmem>>, vector<1x128xf32>
    %add3A_19 = arith.addf %get3A_18, %broadcast_in_dim3A : vector<1x128xf32>
    %swap3A = arith.constant 0 : index
    %swap3A_20 = arith.constant 0 : index
    %swap3A_21 = vector.load %arg5[%swap3A, %swap3A_20] : memref<1x128xf32, #tpu.memory_space<vmem>>, vector<1x128xf32>
    tpu.vector_store %arg5[%swap3A, %swap3A_20], %add3A_19 {strides = array<i32>} : memref<1x128xf32, #tpu.memory_space<vmem>>, vector<1x128xf32>,
    %eq3A_22 = arith.constant 9 : i32
    %eq3A_23 = arith.cmpi eq, %arg0, %eq3A_22 : i32
    %convert_element_type3A_24 = arith.extui %eq3A_23 : i1 to i32
    %cond3A_25 = arith.constant 0 : i32
    %cond3A_26 = arith.cmpi ne, %convert_element_type3A_24, %cond3A_25 : i32
    scf.if %cond3A_26 {
      %get3A_27 = arith.constant 0 : index
      %get3A_28 = arith.constant 0 : index
      %get3A_29 = vector.load %arg5[%get3A_27, %get3A_28] : memref<1x128xf32, #tpu.memory_space<vmem>>, vector<1x128xf32>
      %get3A_30 = arith.constant 0 : index
      %get3A_31 = arith.constant 0 : index
      %get3A_32 = vector.load %arg3[%get3A_30, %get3A_31] : memref<128x128xf32, #tpu.memory_space<vmem>>, vector<128x128xf32>
      %dot_general3A = arith.constant dense<0.000000e+00> : vector<1x128xf32>
      %dot_general3A_33 = tpu.matmul %get3A_29, %get3A_32, %dot_general3A {dimension_numbers = #tpu.dot_dimension_numbers<[1], [0], [0], [1], [0, 0, 1, 1], [], []>, transpose_lhs_hint = false} : vector<1x128xf32>, vector<128x128xf32>, vector<1x128xf32> -> vector<1x128xf32>
      %get3A_34 = arith.constant 0 : index
      %get3A_35 = arith.constant 0 : index
      %get3A_36 = vector.load %arg4[%get3A_34, %get3A_35] : memref<1x128xf32, #tpu.memory_space<vmem>>, vector<1x128xf32>
      %add3A_37 = arith.addf %dot_general3A_33, %get3A_36 : vector<1x128xf32>
      %swap3A_38 = arith.constant 0 : index
      %swap3A_39 = arith.constant 0 : index
      %swap3A_40 = vector.load %arg5[%swap3A_38, %swap3A_39] : memref<1x128xf32, #tpu.memory_space<vmem>>, vector<1x128xf32>
      tpu.vector_store %arg5[%swap3A_38, %swap3A_39], %add3A_37 {strides = array<i32>} : memref<1x128xf32, #tpu.memory_space<vmem>>, vector<1x128xf32>,
    } else {
    }
    return
  }
  func.func @transform_0(%arg0: i32) -> (i32, i32, i32) {
    %c0_i32 = arith.constant 0 : i32
    %c0_i32_0 = arith.constant 0 : i32
    %c0_i32_1 = arith.constant 0 : i32
    return %c0_i32, %arg0, %c0_i32_0 : i32, i32, i32
  }
  func.func @transform_1(%arg0: i32) -> (i32, i32) {
    %c0_i32 = arith.constant 0 : i32
    %c0_i32_0 = arith.constant 0 : i32
    return %arg0, %c0_i32 : i32, i32
  }
  func.func @transform_2(%arg0: i32) -> (i32, i32) {
    %c0_i32 = arith.constant 0 : i32
    %c0_i32_0 = arith.constant 0 : i32
    %c0_i32_1 = arith.constant 0 : i32
    return %c0_i32, %c0_i32_0 : i32, i32
  }
  func.func @transform_3(%arg0: i32) -> (i32, i32) {
    %c0_i32 = arith.constant 0 : i32
    %c0_i32_0 = arith.constant 0 : i32
    %c0_i32_1 = arith.constant 0 : i32
    return %c0_i32, %c0_i32_0 : i32, i32
  }
  func.func @transform_4(%arg0: i32) -> (i32, i32) {
    %c0_i32 = arith.constant 0 : i32
    %c0_i32_0 = arith.constant 0 : i32
    %c0_i32_1 = arith.constant 0 : i32
    return %c0_i32, %c0_i32_0 : i32, i32
  }
}

</mosaic_0001>

<sc_bundles>
// kernel: kernel.4.cloned.1.call-start
scs
__scs_entry_jumppad:
0x0: {  	(pc) =	sbr.rel $0x88, $3  }
0x1: {  	(tag) =	ssettag $0x0;
	lr =	simm.s32 $0x1  }
0x2: {  	[smem:$0x3F9D] =	sst lr;
	_ =	strace $0xD0000000  }
0x3: {  	_ = 	snop  }
0x4: {  	_ = 	snop  }
0x5: {  	_ = 	snop  }
0x6: {  	_ = 	snop  }
0x7: {  	_ = 	snop  }
__scs_overlays_trampoline_lowered:
0x8: {  	[smem:$0x3FAC] =	sst s0  }
0x9: {  	[smem:$0x3FAD] =	sst s1  }
0xa: {  	[smem:$0x3FAE] =	sst s2  }
0xb: {  	[smem:$0x3FAF] =	sst s3  }
0xc: {  	[smem:$0x3FB0] =	sst s4  }
0xd: {  	[smem:$0x3FB1] =	sst s5  }
0xe: {  	[smem:$0x3FB2] =	sst s6  }
0xf: {  	[smem:$0x3FB3] =	sst s7  }
0x10: {  	[smem:$0x3FB4] =	sst s8  }
0x11: {  	[smem:$0x3FB5] =	sst s9;
	s0 =	simm.s32 @!p0 $0x0  }
0x12: {  	s1 =	sld [smem:$0x3F9B];
	s0 =	simm.s32 @p0 $0x1  }
0x13: {  	[smem:$0x3FB6] =	sst s0;
	s0 =	simm.s32 @!p1 $0x0  }
0x14: {  	s2 =	sld [smem:$0x3F9A];
	s0 =	simm.s32 @p1 $0x1  }
0x15: {  	[smem:$0x3FB7] =	sst s0;
	s0 =	simm.s32 @!p2 $0x0  }
0x16: {  	s3 =	sld [smem:$0x3FDB];
	s0 =	simm.s32 @p2 $0x1  }
0x17: {  	s4 =	simm.s32 $0x1BF5;
	[smem:$0x3FB9] =	sst s0  }
0x18: {  	s0 =	sld [smem:$0x3F9C];
	_ =	swait.ge [sflag:s4], $0x0  }
0x19: {  	s7 =	sld [smem:$0x3F9D]  }
0x1a: {  	s8 =	sadd.s32 $0xFFFFE003, lr  }
0x1b: {  	s9 =	sadd.s32 $0xFFFFFEF7, lr;
	s5 =	simm.s32 $0xFFFFFFFF;
	p2 =	slt.u32 s8, $0xFFFFF086  }
0x1c: {  	p1 =	slt.u32 s9, $0xF7A;
	s5 =	simm.s32 @!p2 $0x0  }
0x1d: {  	s5 =	simm.s32 @p1 $0x1;
	p0 =	seq.s32 s7, s2  }
0x1e: {  	s7 =	smul.u32 @!p0 $0xF7A, s2;
	p2 =	seq.s32 @!p0 s5, $0x0  }
0x1f: {  	s9 =	smul.u32 $0xF7A, s1;
	s8 =	simm.s32 @!p0 $0x1BF5;
	p2 =	por !p2, p0  }
0x20: {  	[sflag:s8] =	ssyncset.s32 @!p0 $0xFFFFF086;
	s6 =	sadd.s32 @!p0 s3, s7;
	s7 =	simm.s32 @!p0 $0x108  }
0x21: {  	s3 =	sadd.s32 s3, s9;
	s6 =	sadd.s32 @!p0 $0x88, s6;
	s7 =	simm.s32 @p2 $0x1082  }
0x22: {  	[simem:s7], [sflag:s8] =	dma.local @!p0 [hbm:s6], $0xF7A  }
0x23: {  	s9 =	sor.u32 $0xD0000000, s2;
	s6 =	simm.s32 $0x108;
	_ =	swait.ge @!p0 [sflag:s8], $0x0  }
0x24: {  	s3 =	sadd.s32 $0x88, s3;
	s6 =	simm.s32 @!p1 $0x1082;
	[sflag:s4] =	ssyncset.s32 $0xFFFFF086  }
0x25: {  	[simem:s6], [sflag:s4] =	dma.local [hbm:s3], $0xF7A  }
0x26: {  	[smem:$0x3F9D] =	sst s1;
	(tag) =	ssettag s2;
	_ =	strace s9  }
0x27: {  	s1 =	sld [smem:$0x3FAD]  }
0x28: {  	s2 =	sld [smem:$0x3FAE]  }
0x29: {  	s4 =	sld [smem:$0x3FB0]  }
0x2a: {  	p0 =	seq.s32 s5, $0x0;
	s5 =	sld [smem:$0x3FB1]  }
0x2b: {  	s6 =	sld [smem:$0x3FB2]  }
0x2c: {  	s7 =	sld [smem:$0x3FB3]  }
0x2d: {  	s3 =	simm.s32 $0x108;
	s8 =	sld [smem:$0x3FB4]  }
0x2e: {  	s3 =	simm.s32 @!p0 $0x1082;
	s9 =	sld [smem:$0x3FB5]  }
0x2f: {  	lr =	sadd.s32 s0, s3;
	s0 =	sld [smem:$0x3FAC]  }
0x30: {  	s3 =	sld [smem:$0x3FAF]  }
0x31: {  	[smem:$0x3FB8] =	sst s10  }
0x32: {  	s10 =	sld [smem:$0x3FB6];
	_ =	sdelay $0x3  }
0x33: {  	p0 =	seq.s32 s10, $0x1;
	s10 =	sld [smem:$0x3FB8];
	_ =	sdelay $0x3  }
0x34: {  	[smem:$0x3FB8] =	sst s10  }
0x35: {  	s10 =	sld [smem:$0x3FB7];
	_ =	sdelay $0x3  }
0x36: {  	p1 =	seq.s32 s10, $0x1;
	s10 =	sld [smem:$0x3FB8];
	_ =	sdelay $0x3  }
0x37: {  	[smem:$0x3FB8] =	sst s10  }
0x38: {  	s10 =	sld [smem:$0x3FB9]  }
0x39: {  	_ = 	snop;
	(pc) =	sbr.ind lr, $3  }
0x3a: {  	_ = 	snop  }
0x3b: {  	_ = 	snop  }
0x3c: {  	p2 =	seq.s32 s10, $0x1;
	s10 =	sld [smem:$0x3FB8]  }
0x3d: {  	_ =	shalt  }
0x3e: {  	_ =	shalt  }
0x3f: {  	_ =	shalt  }
0x40: {  	_ =	shalt  }
0x41: {  	_ =	shalt  }
0x42: {  	_ =	shalt  }
0x43: {  	_ =	shalt  }
0x44: {  	_ =	shalt  }
0x45: {  	_ =	shalt  }
0x46: {  	_ =	shalt  }
0x47: {  	_ =	shalt  }
0x48: {  	_ =	shalt  }
0x49: {  	_ =	shalt  }
0x4a: {  	_ =	shalt  }
0x4b: {  	_ =	shalt  }
0x4c: {  	_ =	shalt  }
0x4d: {  	_ =	shalt  }
0x4e: {  	_ =	shalt  }
0x4f: {  	_ =	shalt  }
0x50: {  	_ =	shalt  }
0x51: {  	_ =	shalt  }
0x52: {  	_ =	shalt  }
0x53: {  	_ =	shalt  }
0x54: {  	_ =	shalt  }
0x55: {  	_ =	shalt  }
0x56: {  	_ =	shalt  }
0x57: {  	_ =	shalt  }
0x58: {  	_ =	shalt  }
0x59: {  	_ =	shalt  }
0x5a: {  	_ =	shalt  }
0x5b: {  	_ =	shalt  }
0x5c: {  	_ =	shalt  }
0x5d: {  	_ =	shalt  }
0x5e: {  	_ =	shalt  }
0x5f: {  	_ =	shalt  }
0x60: {  	_ =	shalt  }
0x61: {  	_ =	shalt  }
0x62: {  	_ =	shalt  }
0x63: {  	_ =	shalt  }
0x64: {  	_ =	shalt  }
0x65: {  	_ =	shalt  }
0x66: {  	_ =	shalt  }
0x67: {  	_ =	shalt  }
0x68: {  	_ =	shalt  }
0x69: {  	_ =	shalt  }
0x6a: {  	_ =	shalt  }
0x6b: {  	_ =	shalt  }
0x6c: {  	_ =	shalt  }
0x6d: {  	_ =	shalt  }
0x6e: {  	_ =	shalt  }
0x6f: {  	_ =	shalt  }
0x70: {  	_ =	shalt  }
0x71: {  	_ =	shalt  }
0x72: {  	_ =	shalt  }
0x73: {  	_ =	shalt  }
0x74: {  	_ =	shalt  }
0x75: {  	_ =	shalt  }
0x76: {  	_ =	shalt  }
0x77: {  	_ =	shalt  }
0x78: {  	_ =	shalt  }
0x79: {  	_ =	shalt  }
0x7a: {  	_ =	shalt  }
0x7b: {  	_ =	shalt  }
0x7c: {  	_ =	shalt  }
0x7d: {  	_ =	shalt  }
0x7e: {  	_ =	shalt  }
0x7f: {  	_ =	shalt  }
0x80: {  	_ =	shalt  }
0x81: {  	_ =	shalt  }
0x82: {  	_ =	shalt  }
0x83: {  	_ =	shalt  }
0x84: {  	_ =	shalt  }
0x85: {  	_ =	shalt  }
0x86: {  	_ =	shalt  }
0x87: {  	_ =	shalt  }
.Lfunc_end0:
.L_simem_size_0:
called_computation_lowered:
.L_overlay_start_0:
0x88: {  	s2 =	sld [smem:$0x3FD9]  }
0x89: {  	s3 =	sld [smem:$0x3FFE];
	_ =	sdelay $0x1  }
0x8a: {  	s1 =	srdreg.scid  }
0x8b: {  	s0 =	sand.u32 $0x1, s1  }
0x8c: {  	s17 =	sshll.u32 s0, $0xA;
	s2 =	sadd.s32 s3, s2  }
0x8d: {  	s2 =	sadd.s32 s2, s17  }
0x8e: {  	[smem:$0x3FC4] =	sst s2  }
0x8f: {  	_ = 	snop  }
0x90: {  	s2 =	sld [smem:$0x3FC8];
	(tm) =	ssettm $0x1  }
0x91: {  	s18 =	sld [smem:$0x3FFB];
	_ =	sdelay $0x3  }
0x92: {  	_ =	strace s18  }
0x93: {  	s3 =	sld [smem:$0x3FFC];
	_ =	sdelay $0x3  }
0x94: {  	_ =	strace s3  }
0x95: {  	s3 =	sld [smem:$0x3FFD];
	_ =	sdelay $0x3  }
0x96: {  	_ =	strace s3  }
0x97: {  	_ =	strace $0x8FFFFFFF  }
0x98: {  	s19 =	sld [smem:$0x3FDB];
	_ =	sdelay $0x1  }
0x99: {  	s4 =	simm.s32 $_scs_section_size  }
0x9a: {  	s5 =	simm.s32 $_size__tile_overlayer_lowered;
	s6 =	simm.s32 $_tile_overlayer_lowered  }
0x9b: {  	s22 =	simm.s32 $0x1BFF;
	s21 =	sshll.u32 s6, $0x1;
	s3 =	sadd.s32 s4, s19  }
0x9c: {  	s7 =	simm.s32 $0x0;
	s20 =	sshll.u32 s5, $0x1;
	s5 =	sadd.s32 s21, s3  }
0x9d: {  	[timem:s7], [sflag:s22] =	dma.local [hbm:s5], s20  }
0x9e: {  	_ =	swait.ge [sflag:s22], s20  }
0x9f: {  	s4 =	ssub.s32 $0x0, s20;
	[sflag:s22] =	ssyncset.done $0x0  }
0xa0: {  	[sflag:s22] =	ssyncadd.s32 s4;
	_ =	sdelay $0x1  }
0xa1: {  	s23 =	simm.s32 $0x1B8B  }
0xa2: {  	_ =	swait.ge [sflag:s23], $0x1  }
0xa3: {  	[sflag:s23] =	ssyncset.done $0x0  }
0xa4: {  	s25 =	simm.s32 $0x1B8E;
	s24 =	sld [smem:$0x3FFE];
	[sflag:s23] =	ssyncadd.s32 $0xFFFFFFFF  }
0xa5: {  	s26 =	simm.s32 $execute0_lowered;
	[smem:$0x3FD2] =	sst s25  }
0xa6: {  	s5 =	sshll.u32 s26, $0x1;
	_ =	strace $0x80000046;
	[dreg:$0x1] =	wrdreg $0xFFFFFFFF  }
0xa7: {  	s28 =	simm.s32 $_size_execute0_lowered;
	s3 =	sadd.s32 s3, s5;
	[dreg:$0x0] =	wrdreg $0x0  }
0xa8: {  	s5 =	sshll.u32 s28, $0x1;
	[dreg:$0x2] =	wrdreg s3  }
0xa9: {  	[dreg:$0x3] =	wrdreg s5  }
0xaa: {  	[dreg:$0x4] =	wrdreg $0xC0  }
0xab: {  	_ =	task [dreg:s7], $0x5FFFF  }
0xac: {  	[dreg:$0x1] =	wrdreg $0xFFFFFFFF  }
0xad: {  	[dreg:$0x0] =	wrdreg $0x60  }
0xae: {  	[dreg:$0x2] =	wrdreg s2  }
0xaf: {  	[dreg:$0x3] =	wrdreg s24  }
0xb0: {  	[dreg:$0x4] =	wrdreg $0x145000  }
0xb1: {  	[dreg:$0x5] =	wrdreg $0x16D000  }
0xb2: {  	[dreg:$0x6] =	wrdreg $0x195000  }
0xb3: {  	[dreg:$0x7] =	wrdreg $0x9  }
0xb4: {  	_ =	task.clear_ibuf [dreg:s7], $0x8FFFF;
	_ =	strace $0x90000046  }
0xb5: {  	s29 =	simm.s32 $0x9;
	_ =	strace $0x80000048  }
0xb6: {  	_ =	swait.ge [sflag:s29], $0x1  }
0xb7: {  	[sflag:s29] =	ssyncadd.s32 $0xFFFFFFFF  }
0xb8: {  	_ =	strace $0x90000048  }
0xb9: {  	_ =	sfence  }
0xba: {  	s30 =	sld [smem:$0x0];
	_ =	sdelay $0x2  }
0xbb: {  	s31 =	sshll.u32 s1, $0xD;
	s1 =	sshrl.u32 s1, $0x2  }
0xbc: {  	s3 =	sand.u32 $0x4000, s31;
	s1 =	sadd.s32 s1, s30  }
0xbd: {  	s0 =	sor.u32 s3, s0;
	s1 =	sshll.u32 s1, $0x11  }
0xbe: {  	s0 =	sor.u32 s1, s0  }
0xbf: {  	s0 =	sadd.s32 $0x8F2B, s0  }
0xc0: {  	[sflag:s0] =	ssyncadd.remote.s32 $0x1  }
0xc1: {  	_ =	sfence.sel $0xFFFF  }
0xc2: {  	[dreg:$0x0] =	wrdreg $0xFFFFFFFF;
	(pc) =	sbr.abs _section_cstart, $3  }
0xc3: {  	[dreg:$0x1] =	wrdreg $0xFFFFFFFF  }
0xc4: {  	_ =	task.clear_ibuf [dreg:s7], $0x2FFFF;
	_ =	strace $0x9FFFFFFF  }
0xc5: {  	(tm) =	ssettm $0x7FFFFFFF  }
tec
execute0_lowered:
.L_overlay_start_1:
0x0: {  	(tag) =	ssettag $0x1  }
0x1: {  	s0 =	rddreg [dreg:$0x0]  }
0x2: {  	s1 =	rddreg [dreg:$0x1]  }
0x3: {  	s2 =	rddreg [dreg:$0x2]  }
0x4: {  	s3 =	srdreg.scid;
	s12 =	rddreg [dreg:$0x3]  }
0x5: {  	s18 =	stileid.u32;
	s16 =	rddreg [dreg:$0x4]  }
0x6: {  	s19 =	simm.s32 $0xC800;
	s20 =	simm.s32 $0x80;
	s21 =	simm.s32 $0x400  }
0x7: {  	s22 =	simm.s32 $0x1;
	s28 =	simm.s32 $0x11800;
	s29 =	simm.s32 $0x100  }
0x8: {  	s13 =	sand.u32 $0x1, s3;
	s4 =	smul.u32 $0x500, s18;
	s3 =	simm.s32 $0x0  }
0x9: {  	s14 =	smul.u32 $0x1400, s18;
	s6 =	sshrl.u32 s18, $0x3;
	s25 =	sshll.u32 s18, $0x7  }
0xa: {  	p0 =	sne.s32 s18, $0xF;
	s11 =	smul.u32 $0xA00, s18;
	s5 =	sshll.u32 s13, $0x7  }
0xb: {  	[smem:$0x7FF] =	sst s3;
	s23 =	ssub.s32 $0x2, s13;
	s6 =	smul.u32 $0x14000, s6  }
0xc: {  	s7 =	sand.u32 $0x380, s25;
	p1 =	seq.s32 s13, $0x0;
	s30 =	smul.u32 $0xA000, s13  }
0xd: {  	s4 =	sor.u32 s5, s4;
	_ =	strace $0x80000047;
	s24 =	sshrl.u32 s23, $0x1  }
0xe: {  	s5 =	sadd.s32 s0, s14;
	s10 =	sadd.s32 s14, s2;
	s26 =	sshrl.u32 s11, $0x2  }
0xf: {  	s11 =	simm.s32 $0x50;
	s4 =	sshrl.u32 s4, $0x3;
	s15 =	ssub.s32 s23, s24  }
0x10: {  	s9 =	sor.u32 s7, s6;
	s6 =	sadd.s32 $0x12C10, s0;
	s7 =	sadd.s32 $0x10, s5  }
0x11: {  	s13 =	sadd.s32 s26, s16;
	s11 =	simm.s32 @!p1 $0x14;
	s31 =	sshrl.u32 s30, $0x2  }
0x12: {  	s23 =	simm.s32 $0x1400;
	s24 =	simm.s32 $0xF000;
	s26 =	simm.s32 $0x14280  }
0x13: {  	s1 =	sadd.s32 s4, s1;
	s4 =	sadd.s32 $0x12C00, s0;
	s8 =	sadd.s32 s9, s2  }
0x14: {  	s9 =	sadd.s32 s9, s12;
	s12 =	sadd.s32 s14, s12;
	s11 =	simm.s32 @p0 $0x50  }
0x15: {  	s15 =	smax.u32 s15, $0x1;
	s16 =	sor.u32 $0x40, s31;
	s17 =	sadd.s32 $0x5040, s31  }
0x16: {  	v0 =	vimm.f32 $0.0e+00;
	v1 =	vimm.f32 $1.000000000e+00;
	p0 =	seq.s32 s18, $0xF;
	s18 =	simm.s32 $0xA000;
	s14 =	sadd.s32 $0x1000, s1  }
.LBB2_1:
0x17: {  	s0 =	simm.s32 @p0 $0x80;
	s1 =	simm.s32 @p0 $0x100;
	s2 =	simm.s32 @p0 $0x0  }
0x18: {  	[tilespmem:s2], [sflag:$0x1] =	stream.strided.gather @p0 [hbm4b:s4+s0], $0x3200, s1, s0, $0x38;
	[tilespmem:$0x19780] =	vst v63  }
0x19: {  	s2 =	simm.s32 @p0 $0x1  }
0x1a: {  	_ =	swait.ge @p0 [sflag:s2], $0x3200  }
0x1b: {  	[sflag:s2] =	ssyncset.done @p0 $0x0  }
0x1c: {  	s30 =	simm.s32 @p0 $0x5000;
	[sflag:s2] =	ssyncadd.s32 @p0 $0xFFFFCE00  }
0x1d: {  	[tilespmem:s30], [sflag:$0x1] =	stream.strided.gather @p0 [hbm4b:s6+s0], $0x3200, s1, s0, $0x38;
	[tilespmem:$0x19780] =	vst v63  }
0x1e: {  	_ =	swait.ge @p0 [sflag:s2], $0x3200  }
0x1f: {  	s0 =	simm.s32 @!p0 $0x80;
	[sflag:s2] =	ssyncset.done @p0 $0x0  }
0x20: {  	s1 =	simm.s32 @!p0 $0x100;
	[sflag:s2] =	ssyncadd.s32 @p0 $0xFFFFCE00;
	s2 =	simm.s32 @!p0 $0x0  }
0x21: {  	[tilespmem:s2], [sflag:$0x1] =	stream.strided.gather @!p0 [hbm4b:s5+s0], $0x5000, s1, s0, $0x38;
	[tilespmem:$0x19780] =	vst v63  }
0x22: {  	s2 =	simm.s32 @!p0 $0x1  }
0x23: {  	_ =	swait.ge @!p0 [sflag:s2], $0x5000  }
0x24: {  	[sflag:s2] =	ssyncset.done @!p0 $0x0  }
0x25: {  	s30 =	simm.s32 @!p0 $0x5000;
	[sflag:s2] =	ssyncadd.s32 @!p0 $0xFFFFB000  }
0x26: {  	[tilespmem:s30], [sflag:$0x1] =	stream.strided.gather @!p0 [hbm4b:s7+s0], $0x5000, s1, s0, $0x38;
	[tilespmem:$0x19780] =	vst v63  }
0x27: {  	_ =	swait.ge @!p0 [sflag:s2], $0x5000  }
0x28: {  	s30 =	simm.s32 @!p0 $0xA0;
	s0 =	simm.s32 $0x0;
	[sflag:s2] =	ssyncset.done @!p0 $0x0  }
0x29: {  	s1 =	simm.s32 $0x400;
	s30 =	simm.s32 @p0 $0x64;
	[sflag:s2] =	ssyncadd.s32 @!p0 $0xFFFFB000  }
.LBB2_2:
0x2a: {  	p1 =	sne.s32 s1, $0x9C00;
	[tilespmem:s0+$0xA0F0] =	vst v0  }
0x2b: {  	[tilespmem:s0+$0xA000] =	vst v0  }
0x2c: {  	[tilespmem:s0+$0xA010] =	vst v0  }
0x2d: {  	[tilespmem:s0+$0xA020] =	vst v0  }
0x2e: {  	[tilespmem:s0+$0xA030] =	vst v0  }
0x2f: {  	[tilespmem:s0+$0xA040] =	vst v0  }
0x30: {  	[tilespmem:s0+$0xA050] =	vst v0  }
0x31: {  	[tilespmem:s0+$0xA060] =	vst v0  }
0x32: {  	[tilespmem:s0+$0xA070] =	vst v0  }
0x33: {  	[tilespmem:s0+$0xA080] =	vst v0  }
0x34: {  	[tilespmem:s0+$0xA090] =	vst v0  }
.Ltmp0:
0x35: {  	[tilespmem:s0+$0xA0A0] =	vst v0;
	(pc) =	sbr.rel @p1 .LBB2_2-.Ltmp0, $4  }
0x36: {  	[tilespmem:s0+$0xA0B0] =	vst v0  }
0x37: {  	[tilespmem:s0+$0xA0C0] =	vst v0  }
0x38: {  	[tilespmem:s0+$0xA0D0] =	vst v0  }
0x39: {  	[tilespmem:s0+$0xA0E0] =	vst v0;
	s0 =	sshra.s32 s1, $0x2;
	s1 =	sadd.s32 $0x400, s1  }
0x3a: {  	[tilespmem:s0+$0xA0F0] =	vst v0  }
0x3b: {  	[tilespmem:s0+$0xA000] =	vst v0  }
0x3c: {  	[tilespmem:s0+$0xA010] =	vst v0  }
0x3d: {  	[tilespmem:s0+$0xA020] =	vst v0  }
0x3e: {  	[tilespmem:s0+$0xA030] =	vst v0  }
0x3f: {  	[tilespmem:s0+$0xA040] =	vst v0  }
0x40: {  	[tilespmem:s0+$0xA050] =	vst v0  }
0x41: {  	[tilespmem:s0+$0xA060] =	vst v0  }
0x42: {  	[tilespmem:s0+$0xA070] =	vst v0  }
0x43: {  	[tilespmem:s0+$0xA080] =	vst v0  }
0x44: {  	[tilespmem:s0+$0xA090] =	vst v0  }
0x45: {  	[tilespmem:s0+$0xA0A0] =	vst v0  }
0x46: {  	[tilespmem:s0+$0xA0B0] =	vst v0  }
0x47: {  	[tilespmem:s0+$0xA0C0] =	vst v0  }
0x48: {  	[tilespmem:s0+$0xA0D0] =	vst v0  }
0x49: {  	[tilespmem:s0+$0xA0E0] =	vst v0;
	s0 =	simm.s32 $0x0;
	s1 =	simm.s32 $0x400  }
.LBB2_4:
0x4a: {  	p1 =	sne.s32 s1, $0x9C00;
	[tilespmem:s0+$0xC8F0] =	vst v0  }
0x4b: {  	[tilespmem:s0+$0xC800] =	vst v0  }
0x4c: {  	[tilespmem:s0+$0xC810] =	vst v0  }
0x4d: {  	[tilespmem:s0+$0xC820] =	vst v0  }
0x4e: {  	[tilespmem:s0+$0xC830] =	vst v0  }
0x4f: {  	[tilespmem:s0+$0xC840] =	vst v0  }
0x50: {  	[tilespmem:s0+$0xC850] =	vst v0  }
0x51: {  	[tilespmem:s0+$0xC860] =	vst v0  }
0x52: {  	[tilespmem:s0+$0xC870] =	vst v0  }
0x53: {  	[tilespmem:s0+$0xC880] =	vst v0  }
0x54: {  	[tilespmem:s0+$0xC890] =	vst v0  }
.Ltmp1:
0x55: {  	[tilespmem:s0+$0xC8A0] =	vst v0;
	(pc) =	sbr.rel @p1 .LBB2_4-.Ltmp1, $4  }
0x56: {  	[tilespmem:s0+$0xC8B0] =	vst v0  }
0x57: {  	[tilespmem:s0+$0xC8C0] =	vst v0  }
0x58: {  	[tilespmem:s0+$0xC8D0] =	vst v0  }
0x59: {  	[tilespmem:s0+$0xC8E0] =	vst v0;
	s0 =	sshra.s32 s1, $0x2;
	s1 =	sadd.s32 $0x400, s1  }
0x5a: {  	[tilespmem:s0+$0xC8F0] =	vst v0  }
0x5b: {  	[tilespmem:s0+$0xC800] =	vst v0  }
0x5c: {  	[tilespmem:s0+$0xC810] =	vst v0  }
0x5d: {  	[tilespmem:s0+$0xC820] =	vst v0  }
0x5e: {  	[tilespmem:s0+$0xC830] =	vst v0  }
0x5f: {  	[tilespmem:s0+$0xC840] =	vst v0  }
0x60: {  	[tilespmem:s0+$0xC850] =	vst v0  }
0x61: {  	[tilespmem:s0+$0xC860] =	vst v0  }
0x62: {  	[tilespmem:s0+$0xC870] =	vst v0  }
0x63: {  	[tilespmem:s0+$0xC880] =	vst v0  }
0x64: {  	[tilespmem:s0+$0xC890] =	vst v0  }
0x65: {  	[tilespmem:s0+$0xC8A0] =	vst v0  }
0x66: {  	[tilespmem:s0+$0xC8B0] =	vst v0  }
0x67: {  	[tilespmem:s0+$0xC8C0] =	vst v0  }
0x68: {  	[tilespmem:s0+$0xC8D0] =	vst v0  }
0x69: {  	[tilespmem:s0+$0xC8E0] =	vst v0;
	s1 =	simm.s32 $0x5040  }
0x6a: {  	v2 =	vld [tilespmem:s1+$0x30]  }
0x6b: {  	v3 =	vld [tilespmem:s1+$0x20]  }
0x6c: {  	v4 =	vld [tilespmem:s1+$0x10]  }
0x6d: {  	v5 =	vld [tilespmem:s1+$0x0]  }
0x6e: {  	s31 =	simm.s32 $0x40;
	v6 =	vld [tilespmem:s1+$0xFFFFFFF0]  }
0x6f: {  	v7 =	vld [tilespmem:s31+$0x30]  }
0x70: {  	v8 =	vld [tilespmem:s31+$0x20]  }
0x71: {  	v9 =	vld [tilespmem:s31+$0x10]  }
0x72: {  	v10 =	vld [tilespmem:s31+$0xFFFFFFC0]  }
0x73: {  	v11 =	vld [tilespmem:s1+$0xFFFFFFC0]  }
0x74: {  	v12 =	vld [tilespmem:s31+$0xFFFFFFD0]  }
0x75: {  	v13 =	vld [tilespmem:s1+$0xFFFFFFD0]  }
0x76: {  	v14 =	vld [tilespmem:s31+$0xFFFFFFE0]  }
0x77: {  	v15 =	vld [tilespmem:s1+$0xFFFFFFE0]  }
0x78: {  	v16 =	vld [tilespmem:s31+$0xFFFFFFF0]  }
0x79: {  	v17 =	vld [tilespmem:s31+$0x0]  }
0x7a: {  	[tilespmem:v10+s18+$0x0] =	vst.idx.add.f32.msk $0xffff, v1  }
0x7b: {  	[tilespmem:v11+s19+$0x0] =	vst.idx.add.f32.msk $0xffff, v1  }
0x7c: {  	[tilespmem:v12+s18+$0x0] =	vst.idx.add.f32.msk $0xffff, v1  }
0x7d: {  	[tilespmem:v13+s19+$0x0] =	vst.idx.add.f32.msk $0xffff, v1  }
0x7e: {  	[tilespmem:v14+s18+$0x0] =	vst.idx.add.f32.msk $0xffff, v1  }
0x7f: {  	[tilespmem:v15+s19+$0x0] =	vst.idx.add.f32.msk $0xffff, v1  }
0x80: {  	[tilespmem:v16+s18+$0x0] =	vst.idx.add.f32.msk $0xffff, v1  }
0x81: {  	[tilespmem:v6+s19+$0x0] =	vst.idx.add.f32.msk $0xffff, v1  }
0x82: {  	[tilespmem:v17+s18+$0x0] =	vst.idx.add.f32.msk $0xffff, v1  }
0x83: {  	p1 =	sne.s32 s30, $0x1;
	[tilespmem:v5+s19+$0x0] =	vst.idx.add.f32.msk $0xffff, v1  }
.Ltmp2:
0x84: {  	[tilespmem:v9+s18+$0x0] =	vst.idx.add.f32.msk $0xffff, v1;
	(pc) =	sbr.rel @!p1 .LBB2_7-.Ltmp2, $4  }
0x85: {  	[tilespmem:v4+s19+$0x0] =	vst.idx.add.f32.msk $0xffff, v1  }
0x86: {  	[tilespmem:v8+s18+$0x0] =	vst.idx.add.f32.msk $0xffff, v1  }
0x87: {  	[tilespmem:v3+s19+$0x0] =	vst.idx.add.f32.msk $0xffff, v1  }
0x88: {  	s0 =	sadd.s32 $0xFFFFFFFF, s30;
	[tilespmem:v7+s18+$0x0] =	vst.idx.add.f32.msk $0xffff, v1  }
.LBB2_6:
0x89: {  	p1 =	sne.s32 s0, $0x1;
	[tilespmem:v2+s19+$0x0] =	vst.idx.add.f32.msk $0xffff, v1;
	s31 =	sadd.s32 $0x80, s31;
	s1 =	sadd.s32 $0x80, s1  }
0x8a: {  	s0 =	sadd.s32 $0xFFFFFFFF, s0;
	v2 =	vld [tilespmem:s1+$0x30]  }
0x8b: {  	v3 =	vld [tilespmem:s1+$0x20]  }
0x8c: {  	v4 =	vld [tilespmem:s1+$0x10]  }
0x8d: {  	v5 =	vld [tilespmem:s1+$0x0]  }
0x8e: {  	v6 =	vld [tilespmem:s1+$0xFFFFFFF0]  }
0x8f: {  	v7 =	vld [tilespmem:s31+$0x30]  }
0x90: {  	v8 =	vld [tilespmem:s31+$0x20]  }
0x91: {  	v9 =	vld [tilespmem:s31+$0x10]  }
0x92: {  	v10 =	vld [tilespmem:s31+$0xFFFFFFC0]  }
0x93: {  	v11 =	vld [tilespmem:s1+$0xFFFFFFC0]  }
0x94: {  	v12 =	vld [tilespmem:s31+$0xFFFFFFD0]  }
0x95: {  	v13 =	vld [tilespmem:s1+$0xFFFFFFD0]  }
0x96: {  	v14 =	vld [tilespmem:s31+$0xFFFFFFE0]  }
0x97: {  	v15 =	vld [tilespmem:s1+$0xFFFFFFE0]  }
0x98: {  	v16 =	vld [tilespmem:s31+$0xFFFFFFF0]  }
0x99: {  	v17 =	vld [tilespmem:s31+$0x0]  }
0x9a: {  	[tilespmem:v10+s18+$0x0] =	vst.idx.add.f32.msk $0xffff, v1  }
0x9b: {  	[tilespmem:v11+s19+$0x0] =	vst.idx.add.f32.msk $0xffff, v1  }
0x9c: {  	[tilespmem:v12+s18+$0x0] =	vst.idx.add.f32.msk $0xffff, v1  }
0x9d: {  	[tilespmem:v13+s19+$0x0] =	vst.idx.add.f32.msk $0xffff, v1  }
0x9e: {  	[tilespmem:v14+s18+$0x0] =	vst.idx.add.f32.msk $0xffff, v1  }
0x9f: {  	[tilespmem:v15+s19+$0x0] =	vst.idx.add.f32.msk $0xffff, v1  }
0xa0: {  	[tilespmem:v16+s18+$0x0] =	vst.idx.add.f32.msk $0xffff, v1  }
0xa1: {  	[tilespmem:v6+s19+$0x0] =	vst.idx.add.f32.msk $0xffff, v1  }
0xa2: {  	[tilespmem:v17+s18+$0x0] =	vst.idx.add.f32.msk $0xffff, v1  }
0xa3: {  	[tilespmem:v5+s19+$0x0] =	vst.idx.add.f32.msk $0xffff, v1  }
.Ltmp3:
0xa4: {  	[tilespmem:v9+s18+$0x0] =	vst.idx.add.f32.msk $0xffff, v1;
	(pc) =	sbr.rel @p1 .LBB2_6-.Ltmp3, $4  }
0xa5: {  	[tilespmem:v4+s19+$0x0] =	vst.idx.add.f32.msk $0xffff, v1  }
0xa6: {  	[tilespmem:v8+s18+$0x0] =	vst.idx.add.f32.msk $0xffff, v1  }
0xa7: {  	[tilespmem:v3+s19+$0x0] =	vst.idx.add.f32.msk $0xffff, v1  }
0xa8: {  	[tilespmem:v7+s18+$0x0] =	vst.idx.add.f32.msk $0xffff, v1  }
.LBB2_7:
0xa9: {  	_ =	sdelay $0x3  }
0xaa: {  	[tilespmem:v2+s19+$0x0] =	vst.idx.add.f32.msk $0xffff, v1  }
0xab: {  	[spmem:s8] =	stream.strided.scatter [tilespmem:s18], [sflag:$0x1], $0x2800, s21, s20, $0x38;
	[tilespmem:$0x19780] =	vst v63  }
0xac: {  	_ =	swait.ge [sflag:s22], $0x2800  }
0xad: {  	[sflag:s22] =	ssyncset.done $0x0  }
0xae: {  	[sflag:s22] =	ssyncadd.s32 $0xFFFFD800  }
0xaf: {  	[spmem:s9] =	stream.strided.scatter [tilespmem:s19], [sflag:$0x1], $0x2800, s21, s20, $0x38;
	[tilespmem:$0x19780] =	vst v63  }
0xb0: {  	_ =	swait.ge [sflag:s22], $0x2800  }
0xb1: {  	[sflag:s22] =	ssyncset.done $0x0  }
0xb2: {  	[sflag:s22] =	ssyncadd.s32 $0xFFFFD800  }
0xb3: {  	s30 =	simm.s32 $0x14000;
	[bflag:$0x0] =	sbarrier.arrive $0xFFFF  }
0xb4: {  	[tilespmem:s24], [sflag:$0x1] =	stream.strided.gather [spmem:s10], $0x2800, s30, s23, $0x38;
	[tilespmem:$0x19780] =	vst v63  }
0xb5: {  	s0 =	simm.s32 $0x0;
	_ =	swait.ge [sflag:s22], $0x2800  }
0xb6: {  	s1 =	sand.u32 $0x70, s0;
	s0 =	sand.u32 $0x1C00, s0;
	[sflag:s22] =	ssyncset.done $0x0  }
0xb7: {  	s0 =	sor.u32 s1, s0;
	[sflag:s22] =	ssyncadd.s32 $0xFFFFD800  }
0xb8: {  	v2 =	vld [tilespmem:s0+$0x10780]  }
0xb9: {  	v3 =	vld [tilespmem:s0+$0x10700]  }
0xba: {  	v4 =	vld [tilespmem:s0+$0x10680]  }
0xbb: {  	v5 =	vld [tilespmem:s0+$0x10600]  }
0xbc: {  	v6 =	vld [tilespmem:s0+$0x10580]  }
0xbd: {  	v7 =	vld [tilespmem:s0+$0x10500]  }
0xbe: {  	v8 =	vld [tilespmem:s0+$0x10480]  }
0xbf: {  	v9 =	vld [tilespmem:s0+$0x10400]  }
0xc0: {  	v10 =	vld [tilespmem:s0+$0xF380]  }
0xc1: {  	v11 =	vld [tilespmem:s0+$0xF300]  }
0xc2: {  	v12 =	vld [tilespmem:s0+$0xF280]  }
0xc3: {  	v13 =	vld [tilespmem:s0+$0xF200]  }
0xc4: {  	v14 =	vld [tilespmem:s0+$0xF180]  }
0xc5: {  	v15 =	vld [tilespmem:s0+$0xF100]  }
0xc6: {  	v16 =	vld [tilespmem:s0+$0xF080]  }
0xc7: {  	v17 =	vld [tilespmem:s0+$0xF000];
	_ =	sdelay $0x1  }
0xc8: {  	v4 =	vadd.f32 v4, v5;
	v2 =	vadd.f32 v2, v3  }
0xc9: {  	v3 =	vadd.f32 v8, v9;
	v5 =	vadd.f32 v6, v7  }
0xca: {  	v6 =	vadd.f32 v12, v13;
	v7 =	vadd.f32 v10, v11  }
0xcb: {  	v8 =	vadd.f32 v16, v17;
	v9 =	vadd.f32 v14, v15  }
0xcc: {  	v3 =	vadd.f32 v5, v3;
	v2 =	vadd.f32 v2, v4  }
0xcd: {  	v4 =	vadd.f32 v9, v8;
	v5 =	vadd.f32 v7, v6;
	_ =	sdelay $0x1  }
0xce: {  	v4 =	vadd.f32 v5, v4;
	v2 =	vadd.f32 v2, v3;
	_ =	sdelay $0x1  }
0xcf: {  	v2 =	vadd.f32 v2, v4;
	_ =	sdelay $0x1  }
0xd0: {  	v2 =	vmax.f32 v2, $1.000000000e+00  }
0xd1: {  	v3 =	vshra.s32 v2, $0x1;
	v2 =	vmul.f32 $5.000000000e-01, v2  }
0xd2: {  	v3 =	vsub.s32 $0x5F3759DF, v3  }
0xd3: {  	v4 =	vmul.f32 v3, v2;
	_ =	sdelay $0x1  }
0xd4: {  	v4 =	vmul.f32 v3, v4;
	_ =	sdelay $0x1  }
0xd5: {  	v4 =	vsub.f32 $1.500000000e+00, v4;
	_ =	sdelay $0x1  }
0xd6: {  	v3 =	vmul.f32 v3, v4;
	_ =	sdelay $0x1  }
0xd7: {  	v4 =	vmul.f32 v3, v2;
	_ =	sdelay $0x1  }
0xd8: {  	v4 =	vmul.f32 v4, v3;
	_ =	sdelay $0x1  }
0xd9: {  	v4 =	vsub.f32 $1.500000000e+00, v4;
	_ =	sdelay $0x1  }
0xda: {  	v3 =	vmul.f32 v4, v3;
	_ =	sdelay $0x1  }
0xdb: {  	v2 =	vmul.f32 v3, v2;
	_ =	sdelay $0x1  }
0xdc: {  	v2 =	vmul.f32 v2, v3;
	_ =	sdelay $0x1  }
0xdd: {  	v2 =	vsub.f32 $1.500000000e+00, v2;
	_ =	sdelay $0x1  }
0xde: {  	s2 =	simm.s32 $0x10;
	s31 =	simm.s32 $0x80;
	v2 =	vmul.f32 v2, v3  }
0xdf: {  	s25 =	sand.u32 $0x1C00, s31;
	s0 =	sand.u32 $0x70, s2  }
0xe0: {  	s0 =	sor.u32 s0, s25;
	[tilespmem:s30+$0x0] =	vst v2  }
0xe1: {  	v2 =	vld [tilespmem:s0+$0x10780]  }
0xe2: {  	v3 =	vld [tilespmem:s0+$0x10700]  }
0xe3: {  	v5 =	vld [tilespmem:s0+$0x10680]  }
0xe4: {  	v7 =	vld [tilespmem:s0+$0x10600]  }
0xe5: {  	v4 =	vld [tilespmem:s0+$0x10580]  }
0xe6: {  	v6 =	vld [tilespmem:s0+$0x10500]  }
0xe7: {  	v9 =	vld [tilespmem:s0+$0x10480]  }
0xe8: {  	v11 =	vld [tilespmem:s0+$0x10400]  }
0xe9: {  	v8 =	vld [tilespmem:s0+$0xF380]  }
0xea: {  	v10 =	vld [tilespmem:s0+$0xF300]  }
0xeb: {  	v13 =	vld [tilespmem:s0+$0xF280]  }
0xec: {  	v15 =	vld [tilespmem:s0+$0xF200]  }
0xed: {  	v12 =	vld [tilespmem:s0+$0xF180]  }
0xee: {  	s1 =	simm.s32 $0x20;
	v14 =	vld [tilespmem:s0+$0xF100]  }
.LBB2_8:
0xef: {  	p1 =	sne.s32 s1, $0x270;
	v16 =	vld [tilespmem:s0+$0xF080]  }
0xf0: {  	v17 =	vld [tilespmem:s0+$0xF000];
	_ =	sdelay $0x1  }
0xf1: {  	v5 =	vadd.f32 v5, v7;
	v2 =	vadd.f32 v2, v3  }
0xf2: {  	v3 =	vadd.f32 v9, v11;
	v4 =	vadd.f32 v4, v6  }
0xf3: {  	v7 =	vadd.f32 v8, v10;
	v6 =	vadd.f32 v13, v15  }
0xf4: {  	v9 =	vadd.f32 v12, v14;
	v8 =	vadd.f32 v16, v17  }
0xf5: {  	v3 =	vadd.f32 v4, v3;
	v2 =	vadd.f32 v2, v5  }
0xf6: {  	v5 =	vadd.f32 v7, v6;
	v4 =	vadd.f32 v9, v8;
	_ =	sdelay $0x1  }
0xf7: {  	v2 =	vadd.f32 v2, v3;
	v4 =	vadd.f32 v5, v4;
	_ =	sdelay $0x1  }
0xf8: {  	v2 =	vadd.f32 v2, v4;
	_ =	sdelay $0x1  }
0xf9: {  	v2 =	vmax.f32 v2, $1.000000000e+00  }
0xfa: {  	v3 =	vshra.s32 v2, $0x1;
	v2 =	vmul.f32 $5.000000000e-01, v2  }
0xfb: {  	v3 =	vsub.s32 $0x5F3759DF, v3  }
0xfc: {  	v4 =	vmul.f32 v3, v2;
	_ =	sdelay $0x1  }
0xfd: {  	v4 =	vmul.f32 v3, v4;
	_ =	sdelay $0x1  }
0xfe: {  	v4 =	vsub.f32 $1.500000000e+00, v4;
	_ =	sdelay $0x1  }
0xff: {  	v3 =	vmul.f32 v3, v4;
	_ =	sdelay $0x1  }
0x100: {  	v4 =	vmul.f32 v3, v2;
	_ =	sdelay $0x1  }
0x101: {  	v4 =	vmul.f32 v4, v3;
	_ =	sdelay $0x1  }
0x102: {  	v4 =	vsub.f32 $1.500000000e+00, v4;
	_ =	sdelay $0x1  }
0x103: {  	v3 =	vmul.f32 v4, v3;
	_ =	sdelay $0x1  }
0x104: {  	v2 =	vmul.f32 v3, v2;
	_ =	sdelay $0x1  }
0x105: {  	v2 =	vmul.f32 v2, v3;
	_ =	sdelay $0x1  }
0x106: {  	v2 =	vsub.f32 $1.500000000e+00, v2;
	_ =	sdelay $0x1  }
0x107: {  	s31 =	sadd.s32 $0x80, s31;
	v2 =	vmul.f32 v2, v3  }
0x108: {  	s30 =	sadd.s32 $0x10, s30;
	s0 =	sand.u32 $0x70, s1;
	s2 =	sand.u32 $0x1C00, s31  }
0x109: {  	s0 =	sor.u32 s0, s2;
	[tilespmem:s30+$0x0] =	vst v2  }
0x10a: {  	v2 =	vld [tilespmem:s0+$0x10780]  }
0x10b: {  	v3 =	vld [tilespmem:s0+$0x10700]  }
0x10c: {  	v5 =	vld [tilespmem:s0+$0x10680]  }
0x10d: {  	v7 =	vld [tilespmem:s0+$0x10600]  }
0x10e: {  	v4 =	vld [tilespmem:s0+$0x10580]  }
0x10f: {  	v6 =	vld [tilespmem:s0+$0x10500]  }
0x110: {  	v9 =	vld [tilespmem:s0+$0x10480]  }
0x111: {  	v11 =	vld [tilespmem:s0+$0x10400]  }
0x112: {  	v8 =	vld [tilespmem:s0+$0xF380]  }
.Ltmp4:
0x113: {  	v10 =	vld [tilespmem:s0+$0xF300];
	(pc) =	sbr.rel @p1 .LBB2_8-.Ltmp4, $4  }
0x114: {  	v13 =	vld [tilespmem:s0+$0xF280]  }
0x115: {  	v15 =	vld [tilespmem:s0+$0xF200]  }
0x116: {  	v12 =	vld [tilespmem:s0+$0xF180]  }
0x117: {  	s1 =	sadd.s32 $0x10, s1;
	v14 =	vld [tilespmem:s0+$0xF100]  }
0x118: {  	v16 =	vld [tilespmem:s0+$0xF080]  }
0x119: {  	v17 =	vld [tilespmem:s0+$0xF000];
	_ =	sdelay $0x1  }
0x11a: {  	v5 =	vadd.f32 v5, v7;
	v2 =	vadd.f32 v2, v3  }
0x11b: {  	v3 =	vadd.f32 v9, v11;
	v4 =	vadd.f32 v4, v6  }
0x11c: {  	v7 =	vadd.f32 v8, v10;
	v6 =	vadd.f32 v13, v15  }
0x11d: {  	v9 =	vadd.f32 v12, v14;
	v8 =	vadd.f32 v16, v17  }
0x11e: {  	v3 =	vadd.f32 v4, v3;
	v2 =	vadd.f32 v2, v5  }
0x11f: {  	v5 =	vadd.f32 v7, v6;
	v4 =	vadd.f32 v9, v8;
	_ =	sdelay $0x1  }
0x120: {  	v2 =	vadd.f32 v2, v3;
	v4 =	vadd.f32 v5, v4;
	_ =	sdelay $0x1  }
0x121: {  	v2 =	vadd.f32 v2, v4;
	_ =	sdelay $0x1  }
0x122: {  	v2 =	vmax.f32 v2, $1.000000000e+00  }
0x123: {  	v3 =	vshra.s32 v2, $0x1;
	v2 =	vmul.f32 $5.000000000e-01, v2  }
0x124: {  	v3 =	vsub.s32 $0x5F3759DF, v3  }
0x125: {  	v4 =	vmul.f32 v3, v2;
	_ =	sdelay $0x1  }
0x126: {  	v4 =	vmul.f32 v3, v4;
	_ =	sdelay $0x1  }
0x127: {  	v4 =	vsub.f32 $1.500000000e+00, v4;
	_ =	sdelay $0x1  }
0x128: {  	v3 =	vmul.f32 v3, v4;
	_ =	sdelay $0x1  }
0x129: {  	v4 =	vmul.f32 v3, v2;
	_ =	sdelay $0x1  }
0x12a: {  	v4 =	vmul.f32 v4, v3;
	_ =	sdelay $0x1  }
0x12b: {  	v4 =	vsub.f32 $1.500000000e+00, v4;
	_ =	sdelay $0x1  }
0x12c: {  	v3 =	vmul.f32 v4, v3;
	_ =	sdelay $0x1  }
0x12d: {  	v2 =	vmul.f32 v3, v2;
	_ =	sdelay $0x1  }
0x12e: {  	v2 =	vmul.f32 v2, v3;
	_ =	sdelay $0x1  }
0x12f: {  	v2 =	vsub.f32 $1.500000000e+00, v2;
	_ =	sdelay $0x1  }
0x130: {  	v2 =	vmul.f32 v2, v3  }
0x131: {  	s1 =	sadd.s32 $0x10, s30  }
0x132: {  	s2 =	simm.s32 $0x14000;
	[tilespmem:s1+$0x0] =	vst v2  }
0x133: {  	[tilespmem:s24], [sflag:$0x1] =	stream.strided.gather [spmem:s12], $0x2800, s2, s23, $0x38;
	[tilespmem:$0x19780] =	vst v63  }
0x134: {  	s25 =	simm.s32 $0x0;
	_ =	swait.ge [sflag:s22], $0x2800  }
0x135: {  	s0 =	sand.u32 $0x1C00, s25;
	s1 =	sand.u32 $0x70, s25;
	[sflag:s22] =	ssyncset.done $0x0  }
0x136: {  	s0 =	sor.u32 s1, s0;
	[sflag:s22] =	ssyncadd.s32 $0xFFFFD800  }
0x137: {  	v2 =	vld [tilespmem:s0+$0x10780]  }
0x138: {  	v3 =	vld [tilespmem:s0+$0x10700]  }
0x139: {  	v4 =	vld [tilespmem:s0+$0x10680]  }
0x13a: {  	v5 =	vld [tilespmem:s0+$0x10600]  }
0x13b: {  	v6 =	vld [tilespmem:s0+$0x10580]  }
0x13c: {  	v7 =	vld [tilespmem:s0+$0x10500]  }
0x13d: {  	v8 =	vld [tilespmem:s0+$0x10480]  }
0x13e: {  	v9 =	vld [tilespmem:s0+$0x10400]  }
0x13f: {  	v10 =	vld [tilespmem:s0+$0xF380]  }
0x140: {  	v11 =	vld [tilespmem:s0+$0xF300]  }
0x141: {  	v12 =	vld [tilespmem:s0+$0xF280]  }
0x142: {  	v13 =	vld [tilespmem:s0+$0xF200]  }
0x143: {  	v14 =	vld [tilespmem:s0+$0xF180]  }
0x144: {  	v15 =	vld [tilespmem:s0+$0xF100]  }
0x145: {  	v16 =	vld [tilespmem:s0+$0xF080]  }
0x146: {  	v17 =	vld [tilespmem:s0+$0xF000];
	_ =	sdelay $0x1  }
0x147: {  	v4 =	vadd.f32 v4, v5;
	v2 =	vadd.f32 v2, v3  }
0x148: {  	v3 =	vadd.f32 v8, v9;
	v5 =	vadd.f32 v6, v7  }
0x149: {  	v6 =	vadd.f32 v12, v13;
	v7 =	vadd.f32 v10, v11  }
0x14a: {  	v8 =	vadd.f32 v16, v17;
	v9 =	vadd.f32 v14, v15  }
0x14b: {  	v3 =	vadd.f32 v5, v3;
	v2 =	vadd.f32 v2, v4  }
0x14c: {  	v4 =	vadd.f32 v9, v8;
	v5 =	vadd.f32 v7, v6;
	_ =	sdelay $0x1  }
0x14d: {  	v4 =	vadd.f32 v5, v4;
	v2 =	vadd.f32 v2, v3;
	_ =	sdelay $0x1  }
0x14e: {  	v2 =	vadd.f32 v2, v4;
	_ =	sdelay $0x1  }
0x14f: {  	v2 =	vmax.f32 v2, $1.000000000e+00  }
0x150: {  	v3 =	vshra.s32 v2, $0x1;
	v2 =	vmul.f32 $5.000000000e-01, v2  }
0x151: {  	v3 =	vsub.s32 $0x5F3759DF, v3  }
0x152: {  	v4 =	vmul.f32 v3, v2;
	_ =	sdelay $0x1  }
0x153: {  	v4 =	vmul.f32 v3, v4;
	_ =	sdelay $0x1  }
0x154: {  	v4 =	vsub.f32 $1.500000000e+00, v4;
	_ =	sdelay $0x1  }
0x155: {  	v3 =	vmul.f32 v3, v4;
	_ =	sdelay $0x1  }
0x156: {  	v4 =	vmul.f32 v3, v2;
	_ =	sdelay $0x1  }
0x157: {  	v4 =	vmul.f32 v4, v3;
	_ =	sdelay $0x1  }
0x158: {  	v4 =	vsub.f32 $1.500000000e+00, v4;
	_ =	sdelay $0x1  }
0x159: {  	v3 =	vmul.f32 v4, v3;
	_ =	sdelay $0x1  }
0x15a: {  	v2 =	vmul.f32 v3, v2;
	_ =	sdelay $0x1  }
0x15b: {  	v2 =	vmul.f32 v2, v3;
	_ =	sdelay $0x1  }
0x15c: {  	v2 =	vsub.f32 $1.500000000e+00, v2;
	_ =	sdelay $0x1  }
0x15d: {  	s31 =	simm.s32 $0x80;
	s2 =	simm.s32 $0x10;
	v2 =	vmul.f32 v2, v3  }
0x15e: {  	s30 =	simm.s32 $0x14280;
	s25 =	sand.u32 $0x1C00, s31;
	s0 =	sand.u32 $0x70, s2  }
0x15f: {  	s0 =	sor.u32 s0, s25;
	[tilespmem:s30+$0x0] =	vst v2  }
0x160: {  	v2 =	vld [tilespmem:s0+$0x10780]  }
0x161: {  	v3 =	vld [tilespmem:s0+$0x10700]  }
0x162: {  	v5 =	vld [tilespmem:s0+$0x10680]  }
0x163: {  	v7 =	vld [tilespmem:s0+$0x10600]  }
0x164: {  	v4 =	vld [tilespmem:s0+$0x10580]  }
0x165: {  	v6 =	vld [tilespmem:s0+$0x10500]  }
0x166: {  	v9 =	vld [tilespmem:s0+$0x10480]  }
0x167: {  	v11 =	vld [tilespmem:s0+$0x10400]  }
0x168: {  	v8 =	vld [tilespmem:s0+$0xF380]  }
0x169: {  	v10 =	vld [tilespmem:s0+$0xF300]  }
0x16a: {  	v13 =	vld [tilespmem:s0+$0xF280]  }
0x16b: {  	v15 =	vld [tilespmem:s0+$0xF200]  }
0x16c: {  	v12 =	vld [tilespmem:s0+$0xF180]  }
0x16d: {  	s1 =	simm.s32 $0x20;
	v14 =	vld [tilespmem:s0+$0xF100]  }
.LBB2_10:
0x16e: {  	p1 =	sne.s32 s1, $0x270;
	v16 =	vld [tilespmem:s0+$0xF080]  }
0x16f: {  	v17 =	vld [tilespmem:s0+$0xF000];
	_ =	sdelay $0x1  }
0x170: {  	v5 =	vadd.f32 v5, v7;
	v2 =	vadd.f32 v2, v3  }
0x171: {  	v3 =	vadd.f32 v9, v11;
	v4 =	vadd.f32 v4, v6  }
0x172: {  	v7 =	vadd.f32 v8, v10;
	v6 =	vadd.f32 v13, v15  }
0x173: {  	v9 =	vadd.f32 v12, v14;
	v8 =	vadd.f32 v16, v17  }
0x174: {  	v3 =	vadd.f32 v4, v3;
	v2 =	vadd.f32 v2, v5  }
0x175: {  	v5 =	vadd.f32 v7, v6;
	v4 =	vadd.f32 v9, v8;
	_ =	sdelay $0x1  }
0x176: {  	v2 =	vadd.f32 v2, v3;
	v4 =	vadd.f32 v5, v4;
	_ =	sdelay $0x1  }
0x177: {  	v2 =	vadd.f32 v2, v4;
	_ =	sdelay $0x1  }
0x178: {  	v2 =	vmax.f32 v2, $1.000000000e+00  }
0x179: {  	v3 =	vshra.s32 v2, $0x1;
	v2 =	vmul.f32 $5.000000000e-01, v2  }
0x17a: {  	v3 =	vsub.s32 $0x5F3759DF, v3  }
0x17b: {  	v4 =	vmul.f32 v3, v2;
	_ =	sdelay $0x1  }
0x17c: {  	v4 =	vmul.f32 v3, v4;
	_ =	sdelay $0x1  }
0x17d: {  	v4 =	vsub.f32 $1.500000000e+00, v4;
	_ =	sdelay $0x1  }
0x17e: {  	v3 =	vmul.f32 v3, v4;
	_ =	sdelay $0x1  }
0x17f: {  	v4 =	vmul.f32 v3, v2;
	_ =	sdelay $0x1  }
0x180: {  	v4 =	vmul.f32 v4, v3;
	_ =	sdelay $0x1  }
0x181: {  	v4 =	vsub.f32 $1.500000000e+00, v4;
	_ =	sdelay $0x1  }
0x182: {  	v3 =	vmul.f32 v4, v3;
	_ =	sdelay $0x1  }
0x183: {  	v2 =	vmul.f32 v3, v2;
	_ =	sdelay $0x1  }
0x184: {  	v2 =	vmul.f32 v2, v3;
	_ =	sdelay $0x1  }
0x185: {  	v2 =	vsub.f32 $1.500000000e+00, v2;
	_ =	sdelay $0x1  }
0x186: {  	s31 =	sadd.s32 $0x80, s31;
	v2 =	vmul.f32 v2, v3  }
0x187: {  	s30 =	sadd.s32 $0x10, s30;
	s0 =	sand.u32 $0x70, s1;
	s2 =	sand.u32 $0x1C00, s31  }
0x188: {  	s0 =	sor.u32 s0, s2;
	[tilespmem:s30+$0x0] =	vst v2  }
0x189: {  	v2 =	vld [tilespmem:s0+$0x10780]  }
0x18a: {  	v3 =	vld [tilespmem:s0+$0x10700]  }
0x18b: {  	v5 =	vld [tilespmem:s0+$0x10680]  }
0x18c: {  	v7 =	vld [tilespmem:s0+$0x10600]  }
0x18d: {  	v4 =	vld [tilespmem:s0+$0x10580]  }
0x18e: {  	v6 =	vld [tilespmem:s0+$0x10500]  }
0x18f: {  	v9 =	vld [tilespmem:s0+$0x10480]  }
0x190: {  	v11 =	vld [tilespmem:s0+$0x10400]  }
0x191: {  	v8 =	vld [tilespmem:s0+$0xF380]  }
.Ltmp5:
0x192: {  	v10 =	vld [tilespmem:s0+$0xF300];
	(pc) =	sbr.rel @p1 .LBB2_10-.Ltmp5, $4  }
0x193: {  	v13 =	vld [tilespmem:s0+$0xF280]  }
0x194: {  	v15 =	vld [tilespmem:s0+$0xF200]  }
0x195: {  	v12 =	vld [tilespmem:s0+$0xF180]  }
0x196: {  	s1 =	sadd.s32 $0x10, s1;
	v14 =	vld [tilespmem:s0+$0xF100]  }
0x197: {  	v16 =	vld [tilespmem:s0+$0xF080]  }
0x198: {  	v17 =	vld [tilespmem:s0+$0xF000];
	_ =	sdelay $0x1  }
0x199: {  	v5 =	vadd.f32 v5, v7;
	v2 =	vadd.f32 v2, v3  }
0x19a: {  	v3 =	vadd.f32 v9, v11;
	v4 =	vadd.f32 v4, v6  }
0x19b: {  	v58 =	vadd.f32 v8, v10;
	v57 =	vadd.f32 v13, v15  }
0x19c: {  	v60 =	vadd.f32 v12, v14;
	v59 =	vadd.f32 v16, v17  }
0x19d: {  	v3 =	vadd.f32 v4, v3;
	v2 =	vadd.f32 v2, v5  }
0x19e: {  	v62 =	vadd.f32 v58, v57;
	v61 =	vadd.f32 v60, v59;
	_ =	sdelay $0x1  }
0x19f: {  	v2 =	vadd.f32 v2, v3;
	v4 =	vadd.f32 v62, v61;
	_ =	sdelay $0x1  }
0x1a0: {  	v2 =	vadd.f32 v2, v4;
	_ =	sdelay $0x1  }
0x1a1: {  	v2 =	vmax.f32 v2, $1.000000000e+00  }
0x1a2: {  	v3 =	vshra.s32 v2, $0x1;
	v2 =	vmul.f32 $5.000000000e-01, v2  }
0x1a3: {  	v3 =	vsub.s32 $0x5F3759DF, v3  }
0x1a4: {  	v63 =	vmul.f32 v3, v2;
	_ =	sdelay $0x1  }
0x1a5: {  	v4 =	vmul.f32 v3, v63;
	_ =	sdelay $0x1  }
0x1a6: {  	v4 =	vsub.f32 $1.500000000e+00, v4;
	_ =	sdelay $0x1  }
0x1a7: {  	v3 =	vmul.f32 v3, v4;
	_ =	sdelay $0x1  }
0x1a8: {  	v4 =	vmul.f32 v3, v2;
	_ =	sdelay $0x1  }
0x1a9: {  	v4 =	vmul.f32 v4, v3;
	_ =	sdelay $0x1  }
0x1aa: {  	v4 =	vsub.f32 $1.500000000e+00, v4;
	_ =	sdelay $0x1  }
0x1ab: {  	v3 =	vmul.f32 v4, v3;
	_ =	sdelay $0x1  }
0x1ac: {  	v2 =	vmul.f32 v3, v2;
	_ =	sdelay $0x1  }
0x1ad: {  	v2 =	vmul.f32 v2, v3;
	_ =	sdelay $0x1  }
0x1ae: {  	v2 =	vsub.f32 $1.500000000e+00, v2;
	_ =	sdelay $0x1  }
0x1af: {  	v2 =	vmul.f32 v2, v3  }
0x1b0: {  	s30 =	sadd.s32 $0x10, s30  }
0x1b1: {  	[tilespmem:s30+$0x0] =	vst v2  }
0x1b2: {  	[spmem:s13] =	stream.linear.scatter [tilespmem:s26], [sflag:$0x1], $0x280, $0x38;
	[tilespmem:$0x19780] =	vst v63  }
0x1b3: {  	_ =	swait.ge [sflag:s22], $0x280  }
0x1b4: {  	[sflag:s22] =	ssyncset.done $0x0  }
0x1b5: {  	[sflag:s22] =	ssyncadd.s32 $0xFFFFFD80  }
0x1b6: {  	[bflag:$0x0] =	sbarrier.arrive $0xFFFF  }
0x1b7: {  	s31 =	rddreg [dreg:$0x4]  }
0x1b8: {  	[tilespmem:s28], [sflag:$0x1] =	stream.linear.gather [spmem:s31], $0x2800, $0x38;
	[tilespmem:$0x19780] =	vst v63  }
0x1b9: {  	_ =	swait.ge [sflag:s22], $0x2800  }
0x1ba: {  	[sflag:s22] =	ssyncset.done $0x0  }
0x1bb: {  	s0 =	simm.s32 $0x0;
	s1 =	simm.s32 $0x400;
	[sflag:s22] =	ssyncadd.s32 $0xFFFFD800  }
.LBB2_12:
0x1bc: {  	p1 =	sne.s32 s1, $0x9C00;
	[tilespmem:s0+$0xA0F0] =	vst v0  }
0x1bd: {  	[tilespmem:s0+$0xA000] =	vst v0  }
0x1be: {  	[tilespmem:s0+$0xA010] =	vst v0  }
0x1bf: {  	[tilespmem:s0+$0xA020] =	vst v0  }
0x1c0: {  	[tilespmem:s0+$0xA030] =	vst v0  }
0x1c1: {  	[tilespmem:s0+$0xA040] =	vst v0  }
0x1c2: {  	[tilespmem:s0+$0xA050] =	vst v0  }
0x1c3: {  	[tilespmem:s0+$0xA060] =	vst v0  }
0x1c4: {  	[tilespmem:s0+$0xA070] =	vst v0  }
0x1c5: {  	[tilespmem:s0+$0xA080] =	vst v0  }
0x1c6: {  	[tilespmem:s0+$0xA090] =	vst v0  }
.Ltmp6:
0x1c7: {  	[tilespmem:s0+$0xA0A0] =	vst v0;
	(pc) =	sbr.rel @p1 .LBB2_12-.Ltmp6, $4  }
0x1c8: {  	[tilespmem:s0+$0xA0B0] =	vst v0  }
0x1c9: {  	[tilespmem:s0+$0xA0C0] =	vst v0  }
0x1ca: {  	[tilespmem:s0+$0xA0D0] =	vst v0  }
0x1cb: {  	[tilespmem:s0+$0xA0E0] =	vst v0;
	s0 =	sshra.s32 s1, $0x2;
	s1 =	sadd.s32 $0x400, s1  }
0x1cc: {  	[tilespmem:s0+$0xA0F0] =	vst v0  }
0x1cd: {  	[tilespmem:s0+$0xA000] =	vst v0  }
0x1ce: {  	[tilespmem:s0+$0xA010] =	vst v0  }
0x1cf: {  	[tilespmem:s0+$0xA020] =	vst v0  }
0x1d0: {  	[tilespmem:s0+$0xA030] =	vst v0  }
0x1d1: {  	[tilespmem:s0+$0xA040] =	vst v0  }
0x1d2: {  	[tilespmem:s0+$0xA050] =	vst v0  }
0x1d3: {  	[tilespmem:s0+$0xA060] =	vst v0  }
0x1d4: {  	[tilespmem:s0+$0xA070] =	vst v0  }
0x1d5: {  	[tilespmem:s0+$0xA080] =	vst v0  }
0x1d6: {  	[tilespmem:s0+$0xA090] =	vst v0  }
0x1d7: {  	[tilespmem:s0+$0xA0A0] =	vst v0  }
0x1d8: {  	[tilespmem:s0+$0xA0B0] =	vst v0  }
0x1d9: {  	[tilespmem:s0+$0xA0C0] =	vst v0  }
0x1da: {  	[tilespmem:s0+$0xA0D0] =	vst v0  }
0x1db: {  	[tilespmem:s0+$0xA0E0] =	vst v0  }
0x1dc: {  	v2 =	vld [tilespmem:s16+$0x30]  }
0x1dd: {  	v4 =	vld [tilespmem:s16+$0x20]  }
0x1de: {  	v5 =	vld [tilespmem:s16+$0x10]  }
0x1df: {  	v6 =	vld [tilespmem:s16+$0x0]  }
0x1e0: {  	v7 =	vld [tilespmem:s16+$0xFFFFFFF0]  }
0x1e1: {  	v8 =	vld [tilespmem:s16+$0xFFFFFFE0]  }
0x1e2: {  	v9 =	vld [tilespmem:s16+$0xFFFFFFD0]  }
0x1e3: {  	v10 =	vld [tilespmem:s16+$0xFFFFFFC0]  }
0x1e4: {  	v3 =	vld [tilespmem:s17+$0x30]  }
0x1e5: {  	v11 =	vld [tilespmem:s17+$0x20]  }
0x1e6: {  	v12 =	vld [tilespmem:s17+$0xFFFFFFC0]  }
0x1e7: {  	v13 =	vld [tilespmem:s17+$0xFFFFFFD0]  }
0x1e8: {  	v14 =	vld [tilespmem:s17+$0xFFFFFFE0]  }
0x1e9: {  	v15 =	vld [tilespmem:s17+$0xFFFFFFF0]  }
0x1ea: {  	v16 =	vld [tilespmem:s17+$0x0]  }
0x1eb: {  	v17 =	vld [tilespmem:s17+$0x10]  }
0x1ec: {  	v3 =	vld.idx.msk [tilespmem:v3+s28+$0x0], $0xffff  }
0x1ed: {  	v11 =	vld.idx.msk [tilespmem:v11+s28+$0x0], $0xffff  }
0x1ee: {  	v12 =	vld.idx.msk [tilespmem:v12+s28+$0x0], $0xffff  }
0x1ef: {  	v13 =	vld.idx.msk [tilespmem:v13+s28+$0x0], $0xffff  }
0x1f0: {  	v14 =	vld.idx.msk [tilespmem:v14+s28+$0x0], $0xffff  }
0x1f1: {  	v15 =	vld.idx.msk [tilespmem:v15+s28+$0x0], $0xffff  }
0x1f2: {  	v16 =	vld.idx.msk [tilespmem:v16+s28+$0x0], $0xffff  }
0x1f3: {  	v17 =	vld.idx.msk [tilespmem:v17+s28+$0x0], $0xffff  }
0x1f4: {  	[tilespmem:v10+s18+$0x0] =	vst.idx.add.f32.msk $0xffff, v12  }
0x1f5: {  	p1 =	sne.s32 s11, $0x1;
	[tilespmem:v9+s18+$0x0] =	vst.idx.add.f32.msk $0xffff, v13  }
.Ltmp7:
0x1f6: {  	[tilespmem:v8+s18+$0x0] =	vst.idx.add.f32.msk $0xffff, v14;
	(pc) =	sbr.rel @!p1 .LBB2_15-.Ltmp7, $4  }
0x1f7: {  	[tilespmem:v7+s18+$0x0] =	vst.idx.add.f32.msk $0xffff, v15  }
0x1f8: {  	[tilespmem:v6+s18+$0x0] =	vst.idx.add.f32.msk $0xffff, v16  }
0x1f9: {  	[tilespmem:v5+s18+$0x0] =	vst.idx.add.f32.msk $0xffff, v17  }
0x1fa: {  	s0 =	sadd.s32 $0xFFFFFFFF, s11;
	s1 =	smov.u32 s17;
	s30 =	smov.u32 s16;
	[tilespmem:v4+s18+$0x0] =	vst.idx.add.f32.msk $0xffff, v11  }
.LBB2_14:
0x1fb: {  	p1 =	sne.s32 s0, $0x1;
	[tilespmem:v2+s18+$0x0] =	vst.idx.add.f32.msk $0xffff, v3;
	s1 =	sadd.s32 $0x80, s1;
	s30 =	sadd.s32 $0x80, s30  }
0x1fc: {  	s0 =	sadd.s32 $0xFFFFFFFF, s0;
	v2 =	vld [tilespmem:s30+$0x30]  }
0x1fd: {  	v4 =	vld [tilespmem:s30+$0x20]  }
0x1fe: {  	v5 =	vld [tilespmem:s30+$0x10]  }
0x1ff: {  	v6 =	vld [tilespmem:s30+$0x0]  }
0x200: {  	v7 =	vld [tilespmem:s30+$0xFFFFFFF0]  }
0x201: {  	v8 =	vld [tilespmem:s30+$0xFFFFFFE0]  }
0x202: {  	v9 =	vld [tilespmem:s30+$0xFFFFFFD0]  }
0x203: {  	v10 =	vld [tilespmem:s30+$0xFFFFFFC0]  }
0x204: {  	v3 =	vld [tilespmem:s1+$0x30]  }
0x205: {  	v11 =	vld [tilespmem:s1+$0x20]  }
0x206: {  	v12 =	vld [tilespmem:s1+$0xFFFFFFC0]  }
0x207: {  	v13 =	vld [tilespmem:s1+$0xFFFFFFD0]  }
0x208: {  	v14 =	vld [tilespmem:s1+$0xFFFFFFE0]  }
0x209: {  	v15 =	vld [tilespmem:s1+$0xFFFFFFF0]  }
0x20a: {  	v16 =	vld [tilespmem:s1+$0x0]  }
0x20b: {  	v17 =	vld [tilespmem:s1+$0x10]  }
0x20c: {  	v3 =	vld.idx.msk [tilespmem:v3+s28+$0x0], $0xffff  }
0x20d: {  	v11 =	vld.idx.msk [tilespmem:v11+s28+$0x0], $0xffff  }
0x20e: {  	v12 =	vld.idx.msk [tilespmem:v12+s28+$0x0], $0xffff  }
0x20f: {  	v13 =	vld.idx.msk [tilespmem:v13+s28+$0x0], $0xffff  }
0x210: {  	v14 =	vld.idx.msk [tilespmem:v14+s28+$0x0], $0xffff  }
0x211: {  	v15 =	vld.idx.msk [tilespmem:v15+s28+$0x0], $0xffff  }
0x212: {  	v16 =	vld.idx.msk [tilespmem:v16+s28+$0x0], $0xffff  }
0x213: {  	v17 =	vld.idx.msk [tilespmem:v17+s28+$0x0], $0xffff  }
0x214: {  	[tilespmem:v10+s18+$0x0] =	vst.idx.add.f32.msk $0xffff, v12  }
0x215: {  	[tilespmem:v9+s18+$0x0] =	vst.idx.add.f32.msk $0xffff, v13  }
.Ltmp8:
0x216: {  	[tilespmem:v8+s18+$0x0] =	vst.idx.add.f32.msk $0xffff, v14;
	(pc) =	sbr.rel @p1 .LBB2_14-.Ltmp8, $4  }
0x217: {  	[tilespmem:v7+s18+$0x0] =	vst.idx.add.f32.msk $0xffff, v15  }
0x218: {  	[tilespmem:v6+s18+$0x0] =	vst.idx.add.f32.msk $0xffff, v16  }
0x219: {  	[tilespmem:v5+s18+$0x0] =	vst.idx.add.f32.msk $0xffff, v17  }
0x21a: {  	[tilespmem:v4+s18+$0x0] =	vst.idx.add.f32.msk $0xffff, v11  }
.LBB2_15:
0x21b: {  	_ =	sdelay $0x3  }
0x21c: {  	[tilespmem:v2+s18+$0x0] =	vst.idx.add.f32.msk $0xffff, v3  }
0x21d: {  	[spmem:s8] =	stream.strided.scatter [tilespmem:s18], [sflag:$0x1], $0x2800, s21, s20, $0x38;
	[tilespmem:$0x19780] =	vst v63  }
0x21e: {  	_ =	swait.ge [sflag:s22], $0x2800  }
0x21f: {  	[sflag:s22] =	ssyncset.done $0x0  }
0x220: {  	[sflag:s22] =	ssyncadd.s32 $0xFFFFD800  }
0x221: {  	s30 =	simm.s32 $0x14000;
	[bflag:$0x0] =	sbarrier.arrive $0xFFFF  }
0x222: {  	[tilespmem:s24], [sflag:$0x1] =	stream.strided.gather [spmem:s10], $0x2800, s30, s23, $0x38;
	[tilespmem:$0x19780] =	vst v63  }
0x223: {  	s0 =	simm.s32 $0x0;
	_ =	swait.ge [sflag:s22], $0x2800  }
0x224: {  	s1 =	sand.u32 $0x70, s0;
	s0 =	sand.u32 $0x1C00, s0;
	[sflag:s22] =	ssyncset.done $0x0  }
0x225: {  	s0 =	sor.u32 s1, s0;
	[sflag:s22] =	ssyncadd.s32 $0xFFFFD800  }
0x226: {  	v2 =	vld [tilespmem:s0+$0xF080]  }
0x227: {  	v3 =	vld [tilespmem:s0+$0xF000]  }
0x228: {  	v4 =	vld [tilespmem:s0+$0xF100]  }
0x229: {  	v5 =	vld [tilespmem:s0+$0xF180]  }
0x22a: {  	v6 =	vld [tilespmem:s0+$0xF200]  }
0x22b: {  	v7 =	vld [tilespmem:s0+$0xF280]  }
0x22c: {  	v8 =	vld [tilespmem:s0+$0xF300]  }
0x22d: {  	v9 =	vld [tilespmem:s0+$0xF380]  }
0x22e: {  	v10 =	vld [tilespmem:s0+$0x10400]  }
0x22f: {  	v11 =	vld [tilespmem:s0+$0x10480]  }
0x230: {  	v12 =	vld [tilespmem:s0+$0x10500]  }
0x231: {  	v13 =	vld [tilespmem:s0+$0x10580]  }
0x232: {  	v14 =	vld [tilespmem:s0+$0x10600]  }
0x233: {  	v15 =	vld [tilespmem:s0+$0x10680]  }
0x234: {  	v16 =	vld [tilespmem:s0+$0x10700]  }
0x235: {  	v17 =	vld [tilespmem:s0+$0x10780];
	_ =	sdelay $0x1  }
0x236: {  	v2 =	vadd.f32 v2, v3;
	v3 =	vadd.f32 v5, v4  }
0x237: {  	v4 =	vadd.f32 v7, v6;
	v5 =	vadd.f32 v9, v8  }
0x238: {  	v6 =	vadd.f32 v11, v10;
	v7 =	vadd.f32 v13, v12  }
0x239: {  	v8 =	vadd.f32 v15, v14;
	v9 =	vadd.f32 v17, v16  }
0x23a: {  	v2 =	vadd.f32 v3, v2;
	v3 =	vadd.f32 v5, v4  }
0x23b: {  	v4 =	vadd.f32 v7, v6;
	v5 =	vadd.f32 v9, v8  }
0x23c: {  	v6 =	vld [tilespmem:s30+$0x0]  }
0x23d: {  	v2 =	vadd.f32 v3, v2;
	v3 =	vadd.f32 v5, v4;
	_ =	sdelay $0x1  }
0x23e: {  	v2 =	vadd.f32 v3, v2;
	_ =	sdelay $0x1  }
0x23f: {  	v2 =	vmul.f32 v2, v6;
	_ =	sdelay $0x1  }
0x240: {  	s25 =	simm.s32 $0x10;
	s1 =	simm.s32 $0x80;
	v2 =	vmul.f32 $9.999999740e-05, v2  }
0x241: {  	s31 =	simm.s32 $0x14280;
	s2 =	sand.u32 $0x1C00, s1;
	s0 =	sand.u32 $0x70, s25  }
0x242: {  	s2 =	sor.u32 s0, s2;
	[tilespmem:s31+$0x0] =	vst v2  }
0x243: {  	v2 =	vld [tilespmem:s2+$0xF080]  }
0x244: {  	v3 =	vld [tilespmem:s2+$0xF000]  }
0x245: {  	v4 =	vld [tilespmem:s2+$0xF100]  }
0x246: {  	v5 =	vld [tilespmem:s2+$0xF180]  }
0x247: {  	v6 =	vld [tilespmem:s2+$0xF200]  }
0x248: {  	v7 =	vld [tilespmem:s2+$0xF280]  }
0x249: {  	v8 =	vld [tilespmem:s2+$0xF300]  }
0x24a: {  	v9 =	vld [tilespmem:s2+$0xF380]  }
0x24b: {  	v10 =	vld [tilespmem:s2+$0x10400]  }
0x24c: {  	v11 =	vld [tilespmem:s2+$0x10480]  }
0x24d: {  	v12 =	vld [tilespmem:s2+$0x10500]  }
0x24e: {  	v13 =	vld [tilespmem:s2+$0x10580]  }
0x24f: {  	v14 =	vld [tilespmem:s2+$0x10600]  }
0x250: {  	s0 =	simm.s32 $0x20;
	v15 =	vld [tilespmem:s2+$0x10680]  }
.LBB2_16:
0x251: {  	p1 =	sne.s32 s0, $0x270;
	v16 =	vld [tilespmem:s2+$0x10700]  }
0x252: {  	v17 =	vld [tilespmem:s2+$0x10780];
	_ =	sdelay $0x1  }
0x253: {  	v2 =	vadd.f32 v2, v3;
	v3 =	vadd.f32 v5, v4  }
0x254: {  	v4 =	vadd.f32 v7, v6;
	v5 =	vadd.f32 v9, v8  }
0x255: {  	v6 =	vadd.f32 v11, v10;
	v7 =	vadd.f32 v13, v12  }
0x256: {  	v8 =	vadd.f32 v15, v14;
	v9 =	vadd.f32 v17, v16  }
0x257: {  	v2 =	vadd.f32 v3, v2;
	v3 =	vadd.f32 v5, v4  }
0x258: {  	s30 =	sadd.s32 $0x10, s30;
	v4 =	vadd.f32 v7, v6;
	v5 =	vadd.f32 v9, v8  }
0x259: {  	v6 =	vld [tilespmem:s30+$0x0]  }
0x25a: {  	v2 =	vadd.f32 v3, v2;
	v3 =	vadd.f32 v5, v4;
	_ =	sdelay $0x1  }
0x25b: {  	v2 =	vadd.f32 v3, v2;
	_ =	sdelay $0x1  }
0x25c: {  	v2 =	vmul.f32 v2, v6;
	_ =	sdelay $0x1  }
0x25d: {  	s1 =	sadd.s32 $0x80, s1;
	v2 =	vmul.f32 $9.999999740e-05, v2  }
0x25e: {  	s31 =	sadd.s32 $0x10, s31;
	s2 =	sand.u32 $0x70, s0;
	s25 =	sand.u32 $0x1C00, s1  }
0x25f: {  	s2 =	sor.u32 s2, s25;
	[tilespmem:s31+$0x0] =	vst v2  }
0x260: {  	v2 =	vld [tilespmem:s2+$0xF080]  }
0x261: {  	v3 =	vld [tilespmem:s2+$0xF000]  }
0x262: {  	v4 =	vld [tilespmem:s2+$0xF100]  }
0x263: {  	v5 =	vld [tilespmem:s2+$0xF180]  }
0x264: {  	v6 =	vld [tilespmem:s2+$0xF200]  }
0x265: {  	v7 =	vld [tilespmem:s2+$0xF280]  }
0x266: {  	v8 =	vld [tilespmem:s2+$0xF300]  }
0x267: {  	v9 =	vld [tilespmem:s2+$0xF380]  }
0x268: {  	v10 =	vld [tilespmem:s2+$0x10400]  }
.Ltmp9:
0x269: {  	v11 =	vld [tilespmem:s2+$0x10480];
	(pc) =	sbr.rel @p1 .LBB2_16-.Ltmp9, $4  }
0x26a: {  	v12 =	vld [tilespmem:s2+$0x10500]  }
0x26b: {  	v13 =	vld [tilespmem:s2+$0x10580]  }
0x26c: {  	v14 =	vld [tilespmem:s2+$0x10600]  }
0x26d: {  	s0 =	sadd.s32 $0x10, s0;
	v15 =	vld [tilespmem:s2+$0x10680]  }
0x26e: {  	v16 =	vld [tilespmem:s2+$0x10700]  }
0x26f: {  	v17 =	vld [tilespmem:s2+$0x10780];
	_ =	sdelay $0x1  }
0x270: {  	v2 =	vadd.f32 v2, v3;
	v3 =	vadd.f32 v5, v4  }
0x271: {  	v55 =	vadd.f32 v7, v6;
	v56 =	vadd.f32 v9, v8  }
0x272: {  	v57 =	vadd.f32 v11, v10;
	v58 =	vadd.f32 v13, v12  }
0x273: {  	v59 =	vadd.f32 v15, v14;
	v60 =	vadd.f32 v17, v16  }
0x274: {  	v2 =	vadd.f32 v3, v2;
	v3 =	vadd.f32 v56, v55  }
0x275: {  	s0 =	sadd.s32 $0x10, s30;
	v61 =	vadd.f32 v58, v57;
	v62 =	vadd.f32 v60, v59  }
0x276: {  	v63 =	vld [tilespmem:s0+$0x0]  }
0x277: {  	v2 =	vadd.f32 v3, v2;
	v3 =	vadd.f32 v62, v61;
	_ =	sdelay $0x1  }
0x278: {  	v2 =	vadd.f32 v3, v2;
	_ =	sdelay $0x1  }
0x279: {  	v2 =	vmul.f32 v2, v63;
	_ =	sdelay $0x1  }
0x27a: {  	s3 =	sadd.s32 $0x1, s3;
	v2 =	vmul.f32 $9.999999740e-05, v2  }
0x27b: {  	s31 =	sadd.s32 $0x10, s31;
	p1 =	sne.s32 s3, s15  }
.Ltmp10:
0x27c: {  	[tilespmem:s31+$0x0] =	vst v2;
	(pc) =	sbr.rel @p1 .LBB2_1-.Ltmp10, $4  }
0x27d: {  	[hbm4b:s14+s20] =	stream.strided.scatter [tilespmem:s26], [sflag:$0x1], $0x280, s29, s20, $0x38;
	[tilespmem:$0x19780] =	vst v63  }
0x27e: {  	_ =	swait.ge [sflag:s22], $0x280  }
0x27f: {  	[sflag:s22] =	ssyncset.done $0x0  }
0x280: {  	[sflag:s22] =	ssyncadd.s32 $0xFFFFFD80  }
0x281: {  	_ =	sfence.sel $0x180000  }
0x282: {  	[bflag:$0x0] =	sbarrier.arrive $0xFFFF  }
0x283: {  	_ =	strace $0x90000047  }
0x284: {  	s0 =	stileid.u32;
	[bflag:$0x2] =	sbarrier.arrive $0xFFFF  }
0x285: {  	p0 =	sne.s32 s0, $0x0;
	s0 =	rddreg [dreg:$0x5]  }
0x286: {  	s0 =	sadd.s32 @!p0 $0x100000, s0  }
0x287: {  	[sflag:s0] =	ssyncadd.tile.s32 @!p0 $0x1;
	_ =	shalt  }
.Lfunc_end2:
_tile_overlayer_lowered:
.L_overlay_start_2:
0x288: {  	(tag) =	ssettag $0x2  }
0x289: {  	s0 =	rddreg [dreg:$0x0];
	s2 =	stileid.u32  }
0x28a: {  	s1 =	rddreg [dreg:$0x1];
	p0 =	sne.s32 s2, $0x0  }
0x28b: {  	s3 =	rddreg [dreg:$0x2];
	[bflag:$0x3] =	sbarrier.arrive $0xFFFF;
	s2 =	simm.s32 @!p0 $0x1C01  }
0x28c: {  	[timem:s3], [sflag:s2] =	dma.local @!p0 [hbm:s0], s1  }
0x28d: {  	s0 =	simm.s32 @!p0 $0x1  }
0x28e: {  	_ =	swait.ge @!p0 [sflag:s0], s1  }
0x28f: {  	s1 =	ssub.s32 @!p0 $0x0, s1;
	[sflag:s0] =	ssyncset.done @!p0 $0x0  }
0x290: {  	[sflag:s0] =	ssyncadd.s32 @!p0 s1  }
0x291: {  	[bflag:$0x3] =	sbarrier.arrive $0xFFFF  }
0x292: {  	_ =	shalt  }

</sc_bundles>
